<compile_context>
chip_gen: v7x
topology: tpu7x:2x2x1
jax: 0.10.2.dev20260603
libtpu: 0.0.44.dev20260713+nightly
codegen_flags: <defaults>
</compile_context>

<pallas_src>
import functools

import jax
import jax.numpy as jnp
from jax import lax
from jax.experimental import pallas as pl
from jax.experimental.pallas import tpu as pltpu
from jax.experimental.pallas import tpu_sc as plsc

N = 320000
D = 128
NUM_LABELS = 10000


TC_BLK = 12800
TC_STEPS = N // TC_BLK
NBUF = 3
assert N % TC_BLK == 0


def _tc_body(x_hbm, w_ref, b_ref, s_ref, out_ref, xbuf, sems):
    i = pl.program_id(0)

    def start(blk, slot):
        pltpu.make_async_copy(
            x_hbm.at[pl.ds(blk * TC_BLK, TC_BLK), :],
            xbuf.at[slot], sems.at[slot]).start()

    @pl.when(i == 0)
    def _():
        for k in range(NBUF):
            start(k, k)

    slot = lax.rem(i, NBUF)
    pltpu.make_async_copy(
        x_hbm.at[pl.ds(i * TC_BLK, TC_BLK), :],
        xbuf.at[slot], sems.at[slot]).wait()

    h = jnp.dot(xbuf[slot], w_ref[...], preferred_element_type=jnp.float32)
    r = jnp.maximum(h + b_ref[...], 0.0)
    per = lax.dot_general(s_ref[...], r, (((1,), (1,)), ((), ())),
                          preferred_element_type=jnp.float32)
    out_ref[pl.ds(i * TC_BLK, TC_BLK)] = per.reshape(TC_BLK)

    @pl.when(i + NBUF < TC_STEPS)
    def _():
        start(i + NBUF, slot)


def _tc_per(inputs, W_emb, b_emb, w_red):
    aw = jnp.abs(w_red)
    w_scaled = W_emb * aw[None, :]
    b_scaled = (b_emb * aw).reshape(1, D)
    sgn = jnp.where(w_red < 0, -1.0, 1.0).reshape(1, D)
    return pl.pallas_call(
        _tc_body,
        grid=(TC_STEPS,),
        in_specs=[
            pl.BlockSpec(memory_space=pl.ANY),
            pl.BlockSpec((D, D), lambda i: (0, 0)),
            pl.BlockSpec((1, D), lambda i: (0, 0)),
            pl.BlockSpec((1, D), lambda i: (0, 0)),
        ],
        out_specs=pl.BlockSpec((N,), lambda i: (0,)),
        out_shape=jax.ShapeDtypeStruct((N,), jnp.float32),
        scratch_shapes=[
            pltpu.VMEM((NBUF, TC_BLK, D), jnp.float32),
            pltpu.SemaphoreType.DMA((NBUF,)),
        ],
    )(inputs, w_scaled, b_scaled, sgn)



NC, NS, L = 2, 16, 16
ROW = 128
NROWS = N // ROW
ROWS_PER_TILE = 160
MAIN_ROWS = 96
TAIL_ROWS = 4
NL_PAD = 10240
OUT_CHUNK = NL_PAD // (NC * NS)
ZCHUNK = NL_PAD // NS
SC_GRP = 16


def _sc_segment_sum(vals, labs2d, labs_tail):
    mesh = plsc.VectorSubcoreMesh(core_axis_name="c", subcore_axis_name="s")

    @functools.partial(
        pl.kernel,
        out_type=jax.ShapeDtypeStruct((NL_PAD,), jnp.float32),
        mesh=mesh,
        scratch_types=[
            pltpu.VMEM((ROWS_PER_TILE * ROW,), jnp.float32),
            pltpu.VMEM((ROWS_PER_TILE, ROW), jnp.int32),
            pltpu.VMEM((TAIL_ROWS, ROW), jnp.int32),
            pltpu.VMEM((ZCHUNK,), jnp.float32),
            pltpu.VMEM_SHARED((NL_PAD,), jnp.float32),
            pltpu.SemaphoreType.DMA,
        ],
    )
    def seg_kernel(vals_hbm, labs_hbm, tail_hbm, out_hbm, vals_v, labs_v,
                   tail_v, zero_v, acc_sh, sem):
        c = lax.axis_index("c")
        s = lax.axis_index("s")

        base = s * ROWS_PER_TILE

        @pl.when(s < NS - 1)
        def _():
            pltpu.sync_copy(vals_hbm.at[pl.ds(base * ROW,
                                              ROWS_PER_TILE * ROW)], vals_v)
            pltpu.sync_copy(labs_hbm.at[pl.ds(base, ROWS_PER_TILE)], labs_v)

        @pl.when(s == NS - 1)
        def _():
            pltpu.sync_copy(vals_hbm.at[pl.ds(base * ROW, MAIN_ROWS * ROW)],
                            vals_v.at[pl.ds(0, MAIN_ROWS * ROW)])
            pltpu.sync_copy(
                vals_hbm.at[pl.ds((base + MAIN_ROWS) * ROW,
                                  TAIL_ROWS * ROW)],
                vals_v.at[pl.ds(MAIN_ROWS * ROW, TAIL_ROWS * ROW)])
            pltpu.sync_copy(labs_hbm.at[pl.ds(base, MAIN_ROWS)],
                            labs_v.at[pl.ds(0, MAIN_ROWS)])
            pltpu.sync_copy(tail_hbm, tail_v)

        def zbody(i, carry):
            zero_v[pl.ds(i * L, L)] = jnp.zeros((L,), jnp.float32)
            return carry

        lax.fori_loop(0, ZCHUNK // L, zbody, 0)
        pltpu.sync_copy(zero_v, acc_sh.at[pl.ds(s * ZCHUNK, ZCHUNK)])
        plsc.subcore_barrier()

        def sgroup(g, carry):
            copies = []
            for j in range(SC_GRP):
                r = g * SC_GRP + j
                copies.append(pltpu.async_copy(
                    vals_v.at[pl.ds(r * ROW, ROW)], acc_sh.at[labs_v.at[r]],
                    sem, add=True))
            for cp in copies:
                cp.wait()
            return carry

        @pl.when(s < NS - 1)
        def _():
            lax.fori_loop(0, ROWS_PER_TILE // SC_GRP, sgroup, 0)

        @pl.when(s == NS - 1)
        def _():
            lax.fori_loop(0, MAIN_ROWS // SC_GRP, sgroup, 0)
            tail = []
            for j in range(TAIL_ROWS):
                tail.append(pltpu.async_copy(
                    vals_v.at[pl.ds((MAIN_ROWS + j) * ROW, ROW)],
                    acc_sh.at[tail_v.at[j]], sem, add=True))
            for cp in tail:
                cp.wait()

        plsc.subcore_barrier()

        off = c * (NL_PAD // NC) + s * OUT_CHUNK
        pltpu.sync_copy(acc_sh.at[pl.ds(off, OUT_CHUNK)],
                        zero_v.at[pl.ds(0, OUT_CHUNK)])
        pltpu.sync_copy(zero_v.at[pl.ds(0, OUT_CHUNK)],
                        out_hbm.at[pl.ds(off, OUT_CHUNK)])

    return seg_kernel(vals, labs2d, labs_tail)


def kernel(inputs, labels, W_emb, b_emb, w_red):
    per = _tc_per(inputs, W_emb, b_emb, w_red)
    labs2d = labels.astype(jnp.int32).reshape(NROWS, ROW)
    labs_tail = lax.slice(labs2d, (NROWS - TAIL_ROWS, 0), (NROWS, ROW))
    out = _sc_segment_sum(per, labs2d, labs_tail)
    return out[:NUM_LABELS]

# --- scband reference (transcript-rebuilt; emitter-appended) ---
"""Pipeline reference for scband-reduction-70454643524169 (READ-ONLY COPY).

The authoritative reference and input builder live on the scoring server;
editing this copy changes nothing except your own understanding.
"""

import jax, jax.numpy as jnp
import numpy as np

N = 320000
D = 128
NUM_LABELS = 10000

def setup_inputs(seed: int = 0) -> dict:
    key = jax.random.key(seed)
    k1, k2, k3, k4 = jax.random.split(key, 4)
    inputs = jax.random.normal(k1, (N, D), dtype=jnp.float32)
    # labels shape [N, 1, 1] to match torch indexing labels[:, 0, 0]; sorted so segments are contiguous
    labels = jnp.sort(jax.random.randint(k2, (N, 1, 1), 0, NUM_LABELS), axis=0)
    # embedding module params: Linear(D, D) + ReLU
    W_emb = jax.random.normal(k3, (D, D), dtype=jnp.float32) * (1.0 / np.sqrt(D))
    b_emb = jnp.zeros((D,), dtype=jnp.float32)
    # reduction module params: reduction(acc, v) = acc + dot(w_red, v)
    w_red = jax.random.normal(k4, (D,), dtype=jnp.float32) * (1.0 / np.sqrt(D))
    return {"inputs": inputs, "labels": labels, "W_emb": W_emb, "b_emb": b_emb, "w_red": w_red}

def reference(inputs, labels, W_emb, b_emb, w_red):
    # labels == label comparison in torch used [:, 0, 0]
    seg = labels[:, 0, 0]
    # input_representation = self.embedding(inputs)
    rep = jax.nn.relu(inputs @ W_emb + b_emb)
    # sequential binary reduction acc <- reduction(acc, rep[i]) with
    # reduction(acc, v) = acc + w_red . v, starting from result = zeros(num_labels),
    # grouped per unique label == segment-sum of per-example scalars
    per = rep @ w_red
    result = jax.ops.segment_sum(per, seg, num_segments=NUM_LABELS)
    return result

if __name__ == "__main__":
    import jax
    _d = setup_inputs()
    print(jax.jit(kernel)(*tuple(_d.values())))

</pallas_src>

<mosaic_0001>
#map = affine_map<(d0, d1) -> (0)>
#map1 = affine_map<(d0, d1) -> (0, 0)>
module attributes {stable_mosaic.version = 14 : i64} {
  func.func @seg_kernel(%arg0: i32, %arg1: i32, %arg2: memref<320000xf32, #tpu.memory_space<hbm>>, %arg3: memref<2500x128xi32, #tpu.memory_space<hbm>>, %arg4: memref<4x128xi32, #tpu.memory_space<hbm>>, %arg5: memref<10240xf32, #tpu.memory_space<hbm>>, %arg6: memref<20480xf32, #tpu.memory_space<vmem>>, %arg7: memref<160x128xi32, #tpu.memory_space<vmem>>, %arg8: memref<4x128xi32, #tpu.memory_space<vmem>>, %arg9: memref<640xf32, #tpu.memory_space<vmem>>, %arg10: memref<10240xf32, #tpu.memory_space<vmem_shared>>, %arg11: memref<!tpu.dma_semaphore, #tpu.memory_space<semaphore_mem>>) attributes {dimension_semantics = [#tpu.dimension_semantics<core_parallel>, #tpu.dimension_semantics<subcore_parallel>], iteration_bounds = array<i64: 2, 16>, scalar_prefetch = 0 : i64, scratch_operands = 6 : i64, tpu.core_type = #tpu.core_type<sc_vector_subcore>, window_params = [{transform_indices = #map}, {transform_indices = #map1}, {transform_indices = #map1}, {transform_indices = #map}]} {
    %mul3A = arith.constant 160 : i32
    %mul3A_0 = arith.muli %arg1, %mul3A : i32
    %lt3A = arith.constant 15 : i32
    %lt3A_1 = arith.cmpi slt, %arg1, %lt3A : i32
    %convert_element_type3A = arith.extui %lt3A_1 : i1 to i32
    %cond3A = arith.constant 0 : i32
    %cond3A_2 = arith.cmpi ne, %convert_element_type3A, %cond3A : i32
    scf.if %cond3A_2 {
      %mul3A_29 = arith.constant 128 : i32
      %mul3A_30 = arith.muli %mul3A_0, %mul3A_29 : i32
      "tpu.region"() ({
        %run_scoped3A = tpu.sem_alloc : memref<!tpu.dma_semaphore, #tpu.memory_space<semaphore_mem>>
        %dma_start3A = tpu.memref_slice %arg2[%mul3A_30] : memref<320000xf32, #tpu.memory_space<hbm>> -> memref<20480xf32, #tpu.memory_space<hbm>>
        %dma_start3A_31 = tpu.memref_slice %arg2[%mul3A_30] : memref<320000xf32, #tpu.memory_space<hbm>> -> memref<20480xf32, #tpu.memory_space<hbm>>
        tpu.enqueue_dma source(%dma_start3A_31 : memref<20480xf32, #tpu.memory_space<hbm>>) target(%arg6 : memref<20480xf32, #tpu.memory_space<vmem>>) target_semaphore(%run_scoped3A : memref<!tpu.dma_semaphore, #tpu.memory_space<semaphore_mem>>)
        %dma_wait3A = tpu.memref_slice %arg2[%mul3A_30] : memref<320000xf32, #tpu.memory_space<hbm>> -> memref<20480xf32, #tpu.memory_space<hbm>>
        %dma_wait3A_32 = tpu.memref_slice %arg2[%mul3A_30] : memref<320000xf32, #tpu.memory_space<hbm>> -> memref<20480xf32, #tpu.memory_space<hbm>>
        tpu.wait_dma2 semaphore(%run_scoped3A : memref<!tpu.dma_semaphore, #tpu.memory_space<semaphore_mem>>) src(%dma_wait3A_32 : memref<20480xf32, #tpu.memory_space<hbm>>) dst(%arg6 : memref<20480xf32, #tpu.memory_space<vmem>>)
        tpu.yield
      }) : () -> ()
      "tpu.region"() ({
        %run_scoped3A = tpu.sem_alloc : memref<!tpu.dma_semaphore, #tpu.memory_space<semaphore_mem>>
        %dma_start3A = arith.constant 0 : i32
        %dma_start3A_31 = tpu.memref_slice %arg3[%mul3A_0, %dma_start3A] : memref<2500x128xi32, #tpu.memory_space<hbm>> -> memref<160x128xi32, #tpu.memory_space<hbm>>
        %dma_start3A_32 = arith.constant 0 : i32
        %dma_start3A_33 = tpu.memref_slice %arg3[%mul3A_0, %dma_start3A_32] : memref<2500x128xi32, #tpu.memory_space<hbm>> -> memref<160x128xi32, #tpu.memory_space<hbm>>
        tpu.enqueue_dma source(%dma_start3A_33 : memref<160x128xi32, #tpu.memory_space<hbm>>) target(%arg7 : memref<160x128xi32, #tpu.memory_space<vmem>>) target_semaphore(%run_scoped3A : memref<!tpu.dma_semaphore, #tpu.memory_space<semaphore_mem>>)
        %dma_wait3A = arith.constant 0 : i32
        %dma_wait3A_34 = tpu.memref_slice %arg3[%mul3A_0, %dma_wait3A] : memref<2500x128xi32, #tpu.memory_space<hbm>> -> memref<160x128xi32, #tpu.memory_space<hbm>>
        %dma_wait3A_35 = arith.constant 0 : i32
        %dma_wait3A_36 = tpu.memref_slice %arg3[%mul3A_0, %dma_wait3A_35] : memref<2500x128xi32, #tpu.memory_space<hbm>> -> memref<160x128xi32, #tpu.memory_space<hbm>>
        tpu.wait_dma2 semaphore(%run_scoped3A : memref<!tpu.dma_semaphore, #tpu.memory_space<semaphore_mem>>) src(%dma_wait3A_36 : memref<160x128xi32, #tpu.memory_space<hbm>>) dst(%arg7 : memref<160x128xi32, #tpu.memory_space<vmem>>)
        tpu.yield
      }) : () -> ()
    } else {
    }
    %eq3A = arith.constant 15 : i32
    %eq3A_3 = arith.cmpi eq, %arg1, %eq3A : i32
    %convert_element_type3A_4 = arith.extui %eq3A_3 : i1 to i32
    %cond3A_5 = arith.constant 0 : i32
    %cond3A_6 = arith.cmpi ne, %convert_element_type3A_4, %cond3A_5 : i32
    scf.if %cond3A_6 {
      %mul3A_29 = arith.constant 128 : i32
      %mul3A_30 = arith.muli %mul3A_0, %mul3A_29 : i32
      "tpu.region"() ({
        %run_scoped3A = tpu.sem_alloc : memref<!tpu.dma_semaphore, #tpu.memory_space<semaphore_mem>>
        %dma_start3A = arith.constant 0 : i32
        %dma_start3A_35 = tpu.memref_slice %arg6[%dma_start3A] : memref<20480xf32, #tpu.memory_space<vmem>> -> memref<12288xf32, #tpu.memory_space<vmem>>
        %dma_start3A_36 = tpu.memref_slice %arg2[%mul3A_30] : memref<320000xf32, #tpu.memory_space<hbm>> -> memref<12288xf32, #tpu.memory_space<hbm>>
        %dma_start3A_37 = arith.constant 0 : i32
        %dma_start3A_38 = tpu.memref_slice %arg6[%dma_start3A_37] : memref<20480xf32, #tpu.memory_space<vmem>> -> memref<12288xf32, #tpu.memory_space<vmem>>
        %dma_start3A_39 = tpu.memref_slice %arg2[%mul3A_30] : memref<320000xf32, #tpu.memory_space<hbm>> -> memref<12288xf32, #tpu.memory_space<hbm>>
        tpu.enqueue_dma source(%dma_start3A_39 : memref<12288xf32, #tpu.memory_space<hbm>>) target(%dma_start3A_38 : memref<12288xf32, #tpu.memory_space<vmem>>) target_semaphore(%run_scoped3A : memref<!tpu.dma_semaphore, #tpu.memory_space<semaphore_mem>>)
        %dma_wait3A = arith.constant 0 : i32
        %dma_wait3A_40 = tpu.memref_slice %arg6[%dma_wait3A] : memref<20480xf32, #tpu.memory_space<vmem>> -> memref<12288xf32, #tpu.memory_space<vmem>>
        %dma_wait3A_41 = tpu.memref_slice %arg2[%mul3A_30] : memref<320000xf32, #tpu.memory_space<hbm>> -> memref<12288xf32, #tpu.memory_space<hbm>>
        %dma_wait3A_42 = arith.constant 0 : i32
        %dma_wait3A_43 = tpu.memref_slice %arg6[%dma_wait3A_42] : memref<20480xf32, #tpu.memory_space<vmem>> -> memref<12288xf32, #tpu.memory_space<vmem>>
        %dma_wait3A_44 = tpu.memref_slice %arg2[%mul3A_30] : memref<320000xf32, #tpu.memory_space<hbm>> -> memref<12288xf32, #tpu.memory_space<hbm>>
        tpu.wait_dma2 semaphore(%run_scoped3A : memref<!tpu.dma_semaphore, #tpu.memory_space<semaphore_mem>>) src(%dma_wait3A_44 : memref<12288xf32, #tpu.memory_space<hbm>>) dst(%dma_wait3A_43 : memref<12288xf32, #tpu.memory_space<vmem>>)
        tpu.yield
      }) : () -> ()
      %add3A_31 = arith.constant 96 : i32
      %add3A_32 = arith.addi %mul3A_0, %add3A_31 : i32
      %mul3A_33 = arith.constant 128 : i32
      %mul3A_34 = arith.muli %add3A_32, %mul3A_33 : i32
      "tpu.region"() ({
        %run_scoped3A = tpu.sem_alloc : memref<!tpu.dma_semaphore, #tpu.memory_space<semaphore_mem>>
        %dma_start3A = arith.constant 12288 : i32
        %dma_start3A_35 = tpu.memref_slice %arg6[%dma_start3A] : memref<20480xf32, #tpu.memory_space<vmem>> -> memref<512xf32, #tpu.memory_space<vmem>>
        %dma_start3A_36 = tpu.memref_slice %arg2[%mul3A_34] : memref<320000xf32, #tpu.memory_space<hbm>> -> memref<512xf32, #tpu.memory_space<hbm>>
        %dma_start3A_37 = arith.constant 12288 : i32
        %dma_start3A_38 = tpu.memref_slice %arg6[%dma_start3A_37] : memref<20480xf32, #tpu.memory_space<vmem>> -> memref<512xf32, #tpu.memory_space<vmem>>
        %dma_start3A_39 = tpu.memref_slice %arg2[%mul3A_34] : memref<320000xf32, #tpu.memory_space<hbm>> -> memref<512xf32, #tpu.memory_space<hbm>>
        tpu.enqueue_dma source(%dma_start3A_39 : memref<512xf32, #tpu.memory_space<hbm>>) target(%dma_start3A_38 : memref<512xf32, #tpu.memory_space<vmem>>) target_semaphore(%run_scoped3A : memref<!tpu.dma_semaphore, #tpu.memory_space<semaphore_mem>>)
        %dma_wait3A = arith.constant 12288 : i32
        %dma_wait3A_40 = tpu.memref_slice %arg6[%dma_wait3A] : memref<20480xf32, #tpu.memory_space<vmem>> -> memref<512xf32, #tpu.memory_space<vmem>>
        %dma_wait3A_41 = tpu.memref_slice %arg2[%mul3A_34] : memref<320000xf32, #tpu.memory_space<hbm>> -> memref<512xf32, #tpu.memory_space<hbm>>
        %dma_wait3A_42 = arith.constant 12288 : i32
        %dma_wait3A_43 = tpu.memref_slice %arg6[%dma_wait3A_42] : memref<20480xf32, #tpu.memory_space<vmem>> -> memref<512xf32, #tpu.memory_space<vmem>>
        %dma_wait3A_44 = tpu.memref_slice %arg2[%mul3A_34] : memref<320000xf32, #tpu.memory_space<hbm>> -> memref<512xf32, #tpu.memory_space<hbm>>
        tpu.wait_dma2 semaphore(%run_scoped3A : memref<!tpu.dma_semaphore, #tpu.memory_space<semaphore_mem>>) src(%dma_wait3A_44 : memref<512xf32, #tpu.memory_space<hbm>>) dst(%dma_wait3A_43 : memref<512xf32, #tpu.memory_space<vmem>>)
        tpu.yield
      }) : () -> ()
      "tpu.region"() ({
        %run_scoped3A = tpu.sem_alloc : memref<!tpu.dma_semaphore, #tpu.memory_space<semaphore_mem>>
        %dma_start3A = arith.constant 0 : i32
        %dma_start3A_35 = arith.constant 0 : i32
        %dma_start3A_36 = tpu.memref_slice %arg7[%dma_start3A, %dma_start3A_35] : memref<160x128xi32, #tpu.memory_space<vmem>> -> memref<96x128xi32, #tpu.memory_space<vmem>>
        %dma_start3A_37 = arith.constant 0 : i32
        %dma_start3A_38 = tpu.memref_slice %arg3[%mul3A_0, %dma_start3A_37] : memref<2500x128xi32, #tpu.memory_space<hbm>> -> memref<96x128xi32, #tpu.memory_space<hbm>>
        %dma_start3A_39 = arith.constant 0 : i32
        %dma_start3A_40 = arith.constant 0 : i32
        %dma_start3A_41 = tpu.memref_slice %arg7[%dma_start3A_39, %dma_start3A_40] : memref<160x128xi32, #tpu.memory_space<vmem>> -> memref<96x128xi32, #tpu.memory_space<vmem>>
        %dma_start3A_42 = arith.constant 0 : i32
        %dma_start3A_43 = tpu.memref_slice %arg3[%mul3A_0, %dma_start3A_42] : memref<2500x128xi32, #tpu.memory_space<hbm>> -> memref<96x128xi32, #tpu.memory_space<hbm>>
        tpu.enqueue_dma source(%dma_start3A_43 : memref<96x128xi32, #tpu.memory_space<hbm>>) target(%dma_start3A_41 : memref<96x128xi32, #tpu.memory_space<vmem>>) target_semaphore(%run_scoped3A : memref<!tpu.dma_semaphore, #tpu.memory_space<semaphore_mem>>)
        %dma_wait3A = arith.constant 0 : i32
        %dma_wait3A_44 = arith.constant 0 : i32
        %dma_wait3A_45 = tpu.memref_slice %arg7[%dma_wait3A, %dma_wait3A_44] : memref<160x128xi32, #tpu.memory_space<vmem>> -> memref<96x128xi32, #tpu.memory_space<vmem>>
        %dma_wait3A_46 = arith.constant 0 : i32
        %dma_wait3A_47 = tpu.memref_slice %arg3[%mul3A_0, %dma_wait3A_46] : memref<2500x128xi32, #tpu.memory_space<hbm>> -> memref<96x128xi32, #tpu.memory_space<hbm>>
        %dma_wait3A_48 = arith.constant 0 : i32
        %dma_wait3A_49 = arith.constant 0 : i32
        %dma_wait3A_50 = tpu.memref_slice %arg7[%dma_wait3A_48, %dma_wait3A_49] : memref<160x128xi32, #tpu.memory_space<vmem>> -> memref<96x128xi32, #tpu.memory_space<vmem>>
        %dma_wait3A_51 = arith.constant 0 : i32
        %dma_wait3A_52 = tpu.memref_slice %arg3[%mul3A_0, %dma_wait3A_51] : memref<2500x128xi32, #tpu.memory_space<hbm>> -> memref<96x128xi32, #tpu.memory_space<hbm>>
        tpu.wait_dma2 semaphore(%run_scoped3A : memref<!tpu.dma_semaphore, #tpu.memory_space<semaphore_mem>>) src(%dma_wait3A_52 : memref<96x128xi32, #tpu.memory_space<hbm>>) dst(%dma_wait3A_50 : memref<96x128xi32, #tpu.memory_space<vmem>>)
        tpu.yield
      }) : () -> ()
      "tpu.region"() ({
        %run_scoped3A = tpu.sem_alloc : memref<!tpu.dma_semaphore, #tpu.memory_space<semaphore_mem>>
        tpu.enqueue_dma source(%arg4 : memref<4x128xi32, #tpu.memory_space<hbm>>) target(%arg8 : memref<4x128xi32, #tpu.memory_space<vmem>>) target_semaphore(%run_scoped3A : memref<!tpu.dma_semaphore, #tpu.memory_space<semaphore_mem>>)
        tpu.wait_dma2 semaphore(%run_scoped3A : memref<!tpu.dma_semaphore, #tpu.memory_space<semaphore_mem>>) src(%arg4 : memref<4x128xi32, #tpu.memory_space<hbm>>) dst(%arg8 : memref<4x128xi32, #tpu.memory_space<vmem>>)
        tpu.yield
      }) : () -> ()
    } else {
    }
    %scan3A = arith.constant 0 : i32
    %scan3A_7 = arith.constant 0 : i32
    %scan3A_8 = arith.constant 40 : i32
    %scan3A_9 = arith.addi %scan3A_7, %scan3A_8 : i32
    %scan3A_10 = arith.constant 1 : i32
    scf.for %scan3A_29 = %scan3A_7 to %scan3A_9 step %scan3A_10  : i32 {
      %broadcast_in_dim3A = arith.constant 0.000000e+00 : f32
      %broadcast_in_dim3A_30 = vector.broadcast %broadcast_in_dim3A : f32 to vector<16xf32>
      %mul3A_31 = arith.constant 16 : i32
      %mul3A_32 = arith.muli %scan3A_29, %mul3A_31 : i32
      %swap3A = arith.index_cast %mul3A_32 : i32 to index
      %swap3A_33 = tpu.vector_load %arg9[%swap3A] {strides = array<i32>} : memref<640xf32, #tpu.memory_space<vmem>>, vector<16xf32>,
      %swap3A_34 = vector.shape_cast %swap3A_33 : vector<16xf32> to vector<16xf32>
      %swap3A_35 = vector.shape_cast %broadcast_in_dim3A_30 : vector<16xf32> to vector<16xf32>
      tpu.vector_store %arg9[%swap3A], %swap3A_35 {strides = array<i32>} : memref<640xf32, #tpu.memory_space<vmem>>, vector<16xf32>,
    }
    %scan3A_11 = arith.constant 40 : i32
    %mul3A_12 = arith.constant 640 : i32
    %mul3A_13 = arith.muli %arg1, %mul3A_12 : i32
    "tpu.region"() ({
      %run_scoped3A = tpu.sem_alloc : memref<!tpu.dma_semaphore, #tpu.memory_space<semaphore_mem>>
      %dma_start3A = tpu.memref_slice %arg10[%mul3A_13] : memref<10240xf32, #tpu.memory_space<vmem_shared>> -> memref<640xf32, #tpu.memory_space<vmem_shared>>
      %dma_start3A_29 = tpu.memref_slice %arg10[%mul3A_13] : memref<10240xf32, #tpu.memory_space<vmem_shared>> -> memref<640xf32, #tpu.memory_space<vmem_shared>>
      tpu.enqueue_dma source(%arg9 : memref<640xf32, #tpu.memory_space<vmem>>) target(%dma_start3A_29 : memref<640xf32, #tpu.memory_space<vmem_shared>>) target_semaphore(%run_scoped3A : memref<!tpu.dma_semaphore, #tpu.memory_space<semaphore_mem>>)
      %dma_wait3A = tpu.memref_slice %arg10[%mul3A_13] : memref<10240xf32, #tpu.memory_space<vmem_shared>> -> memref<640xf32, #tpu.memory_space<vmem_shared>>
      %dma_wait3A_30 = tpu.memref_slice %arg10[%mul3A_13] : memref<10240xf32, #tpu.memory_space<vmem_shared>> -> memref<640xf32, #tpu.memory_space<vmem_shared>>
      tpu.wait_dma2 semaphore(%run_scoped3A : memref<!tpu.dma_semaphore, #tpu.memory_space<semaphore_mem>>) src(%arg9 : memref<640xf32, #tpu.memory_space<vmem>>) dst(%dma_wait3A_30 : memref<640xf32, #tpu.memory_space<vmem_shared>>)
      tpu.yield
    }) : () -> ()
    %barrier3A = arith.constant 0 : index
    tpu.barrier barrier_id(%barrier3A)
    %lt3A_14 = arith.constant 15 : i32
    %lt3A_15 = arith.cmpi slt, %arg1, %lt3A_14 : i32
    %convert_element_type3A_16 = arith.extui %lt3A_15 : i1 to i32
    %cond3A_17 = arith.constant 0 : i32
    %cond3A_18 = arith.cmpi ne, %convert_element_type3A_16, %cond3A_17 : i32
    scf.if %cond3A_18 {
      %scan3A_29 = arith.constant 0 : i32
      %scan3A_30 = arith.constant 0 : i32
      %scan3A_31 = arith.constant 10 : i32
      %scan3A_32 = arith.addi %scan3A_30, %scan3A_31 : i32
      %scan3A_33 = arith.constant 1 : i32
      scf.for %scan3A_35 = %scan3A_30 to %scan3A_32 step %scan3A_33  : i32 {
        %mul3A_36 = arith.constant 16 : i32
        %mul3A_37 = arith.muli %scan3A_35, %mul3A_36 : i32
        %add3A_38 = arith.constant 0 : i32
        %add3A_39 = arith.addi %mul3A_37, %add3A_38 : i32
        %mul3A_40 = arith.constant 128 : i32
        %mul3A_41 = arith.muli %add3A_39, %mul3A_40 : i32
        %dma_start3A = tpu.memref_slice %arg6[%mul3A_41] : memref<20480xf32, #tpu.memory_space<vmem>> -> memref<128xf32, #tpu.memory_space<vmem>>
        %dma_start3A_42 = arith.constant 0 : i32
        %dma_start3A_43 = tpu.memref_slice %arg7[%add3A_39, %dma_start3A_42] : memref<160x128xi32, #tpu.memory_space<vmem>> -> memref<1x128xi32, #tpu.memory_space<vmem>>
        %dma_start3A_44 = tpu.memref_squeeze %dma_start3A_43 : memref<1x128xi32, #tpu.memory_space<vmem>> -> memref<128xi32, #tpu.memory_space<vmem>>
        %dma_start3A_45 = arith.constant 0 : i32
        %dma_start3A_46 = tpu.memref_slice %arg10[%dma_start3A_45] : memref<10240xf32, #tpu.memory_space<vmem_shared>> -> memref<10240xf32, #tpu.memory_space<vmem_shared>>
        tpu.enqueue_indirect_dma source(%dma_start3A : memref<128xf32, #tpu.memory_space<vmem>>) target(%dma_start3A_46 : memref<10240xf32, #tpu.memory_space<vmem_shared>>) offsets(%dma_start3A_44 : memref<128xi32, #tpu.memory_space<vmem>>) semaphore(%arg11 : memref<!tpu.dma_semaphore, #tpu.memory_space<semaphore_mem>>) {add = true}
        %mul3A_47 = arith.constant 16 : i32
        %mul3A_48 = arith.muli %scan3A_35, %mul3A_47 : i32
        %add3A_49 = arith.constant 1 : i32
        %add3A_50 = arith.addi %mul3A_48, %add3A_49 : i32
        %mul3A_51 = arith.constant 128 : i32
        %mul3A_52 = arith.muli %add3A_50, %mul3A_51 : i32
        %dma_start3A_53 = tpu.memref_slice %arg6[%mul3A_52] : memref<20480xf32, #tpu.memory_space<vmem>> -> memref<128xf32, #tpu.memory_space<vmem>>
        %dma_start3A_54 = arith.constant 0 : i32
        %dma_start3A_55 = tpu.memref_slice %arg7[%add3A_50, %dma_start3A_54] : memref<160x128xi32, #tpu.memory_space<vmem>> -> memref<1x128xi32, #tpu.memory_space<vmem>>
        %dma_start3A_56 = tpu.memref_squeeze %dma_start3A_55 : memref<1x128xi32, #tpu.memory_space<vmem>> -> memref<128xi32, #tpu.memory_space<vmem>>
        %dma_start3A_57 = arith.constant 0 : i32
        %dma_start3A_58 = tpu.memref_slice %arg10[%dma_start3A_57] : memref<10240xf32, #tpu.memory_space<vmem_shared>> -> memref<10240xf32, #tpu.memory_space<vmem_shared>>
        tpu.enqueue_indirect_dma source(%dma_start3A_53 : memref<128xf32, #tpu.memory_space<vmem>>) target(%dma_start3A_58 : memref<10240xf32, #tpu.memory_space<vmem_shared>>) offsets(%dma_start3A_56 : memref<128xi32, #tpu.memory_space<vmem>>) semaphore(%arg11 : memref<!tpu.dma_semaphore, #tpu.memory_space<semaphore_mem>>) {add = true}
        %mul3A_59 = arith.constant 16 : i32
        %mul3A_60 = arith.muli %scan3A_35, %mul3A_59 : i32
        %add3A_61 = arith.constant 2 : i32
        %add3A_62 = arith.addi %mul3A_60, %add3A_61 : i32
        %mul3A_63 = arith.constant 128 : i32
        %mul3A_64 = arith.muli %add3A_62, %mul3A_63 : i32
        %dma_start3A_65 = tpu.memref_slice %arg6[%mul3A_64] : memref<20480xf32, #tpu.memory_space<vmem>> -> memref<128xf32, #tpu.memory_space<vmem>>
        %dma_start3A_66 = arith.constant 0 : i32
        %dma_start3A_67 = tpu.memref_slice %arg7[%add3A_62, %dma_start3A_66] : memref<160x128xi32, #tpu.memory_space<vmem>> -> memref<1x128xi32, #tpu.memory_space<vmem>>
        %dma_start3A_68 = tpu.memref_squeeze %dma_start3A_67 : memref<1x128xi32, #tpu.memory_space<vmem>> -> memref<128xi32, #tpu.memory_space<vmem>>
        %dma_start3A_69 = arith.constant 0 : i32
        %dma_start3A_70 = tpu.memref_slice %arg10[%dma_start3A_69] : memref<10240xf32, #tpu.memory_space<vmem_shared>> -> memref<10240xf32, #tpu.memory_space<vmem_shared>>
        tpu.enqueue_indirect_dma source(%dma_start3A_65 : memref<128xf32, #tpu.memory_space<vmem>>) target(%dma_start3A_70 : memref<10240xf32, #tpu.memory_space<vmem_shared>>) offsets(%dma_start3A_68 : memref<128xi32, #tpu.memory_space<vmem>>) semaphore(%arg11 : memref<!tpu.dma_semaphore, #tpu.memory_space<semaphore_mem>>) {add = true}
        %mul3A_71 = arith.constant 16 : i32
        %mul3A_72 = arith.muli %scan3A_35, %mul3A_71 : i32
        %add3A_73 = arith.constant 3 : i32
        %add3A_74 = arith.addi %mul3A_72, %add3A_73 : i32
        %mul3A_75 = arith.constant 128 : i32
        %mul3A_76 = arith.muli %add3A_74, %mul3A_75 : i32
        %dma_start3A_77 = tpu.memref_slice %arg6[%mul3A_76] : memref<20480xf32, #tpu.memory_space<vmem>> -> memref<128xf32, #tpu.memory_space<vmem>>
        %dma_start3A_78 = arith.constant 0 : i32
        %dma_start3A_79 = tpu.memref_slice %arg7[%add3A_74, %dma_start3A_78] : memref<160x128xi32, #tpu.memory_space<vmem>> -> memref<1x128xi32, #tpu.memory_space<vmem>>
        %dma_start3A_80 = tpu.memref_squeeze %dma_start3A_79 : memref<1x128xi32, #tpu.memory_space<vmem>> -> memref<128xi32, #tpu.memory_space<vmem>>
        %dma_start3A_81 = arith.constant 0 : i32
        %dma_start3A_82 = tpu.memref_slice %arg10[%dma_start3A_81] : memref<10240xf32, #tpu.memory_space<vmem_shared>> -> memref<10240xf32, #tpu.memory_space<vmem_shared>>
        tpu.enqueue_indirect_dma source(%dma_start3A_77 : memref<128xf32, #tpu.memory_space<vmem>>) target(%dma_start3A_82 : memref<10240xf32, #tpu.memory_space<vmem_shared>>) offsets(%dma_start3A_80 : memref<128xi32, #tpu.memory_space<vmem>>) semaphore(%arg11 : memref<!tpu.dma_semaphore, #tpu.memory_space<semaphore_mem>>) {add = true}
        %mul3A_83 = arith.constant 16 : i32
        %mul3A_84 = arith.muli %scan3A_35, %mul3A_83 : i32
        %add3A_85 = arith.constant 4 : i32
        %add3A_86 = arith.addi %mul3A_84, %add3A_85 : i32
        %mul3A_87 = arith.constant 128 : i32
        %mul3A_88 = arith.muli %add3A_86, %mul3A_87 : i32
        %dma_start3A_89 = tpu.memref_slice %arg6[%mul3A_88] : memref<20480xf32, #tpu.memory_space<vmem>> -> memref<128xf32, #tpu.memory_space<vmem>>
        %dma_start3A_90 = arith.constant 0 : i32
        %dma_start3A_91 = tpu.memref_slice %arg7[%add3A_86, %dma_start3A_90] : memref<160x128xi32, #tpu.memory_space<vmem>> -> memref<1x128xi32, #tpu.memory_space<vmem>>
        %dma_start3A_92 = tpu.memref_squeeze %dma_start3A_91 : memref<1x128xi32, #tpu.memory_space<vmem>> -> memref<128xi32, #tpu.memory_space<vmem>>
        %dma_start3A_93 = arith.constant 0 : i32
        %dma_start3A_94 = tpu.memref_slice %arg10[%dma_start3A_93] : memref<10240xf32, #tpu.memory_space<vmem_shared>> -> memref<10240xf32, #tpu.memory_space<vmem_shared>>
        tpu.enqueue_indirect_dma source(%dma_start3A_89 : memref<128xf32, #tpu.memory_space<vmem>>) target(%dma_start3A_94 : memref<10240xf32, #tpu.memory_space<vmem_shared>>) offsets(%dma_start3A_92 : memref<128xi32, #tpu.memory_space<vmem>>) semaphore(%arg11 : memref<!tpu.dma_semaphore, #tpu.memory_space<semaphore_mem>>) {add = true}
        %mul3A_95 = arith.constant 16 : i32
        %mul3A_96 = arith.muli %scan3A_35, %mul3A_95 : i32
        %add3A_97 = arith.constant 5 : i32
        %add3A_98 = arith.addi %mul3A_96, %add3A_97 : i32
        %mul3A_99 = arith.constant 128 : i32
        %mul3A_100 = arith.muli %add3A_98, %mul3A_99 : i32
        %dma_start3A_101 = tpu.memref_slice %arg6[%mul3A_100] : memref<20480xf32, #tpu.memory_space<vmem>> -> memref<128xf32, #tpu.memory_space<vmem>>
        %dma_start3A_102 = arith.constant 0 : i32
        %dma_start3A_103 = tpu.memref_slice %arg7[%add3A_98, %dma_start3A_102] : memref<160x128xi32, #tpu.memory_space<vmem>> -> memref<1x128xi32, #tpu.memory_space<vmem>>
        %dma_start3A_104 = tpu.memref_squeeze %dma_start3A_103 : memref<1x128xi32, #tpu.memory_space<vmem>> -> memref<128xi32, #tpu.memory_space<vmem>>
        %dma_start3A_105 = arith.constant 0 : i32
        %dma_start3A_106 = tpu.memref_slice %arg10[%dma_start3A_105] : memref<10240xf32, #tpu.memory_space<vmem_shared>> -> memref<10240xf32, #tpu.memory_space<vmem_shared>>
        tpu.enqueue_indirect_dma source(%dma_start3A_101 : memref<128xf32, #tpu.memory_space<vmem>>) target(%dma_start3A_106 : memref<10240xf32, #tpu.memory_space<vmem_shared>>) offsets(%dma_start3A_104 : memref<128xi32, #tpu.memory_space<vmem>>) semaphore(%arg11 : memref<!tpu.dma_semaphore, #tpu.memory_space<semaphore_mem>>) {add = true}
        %mul3A_107 = arith.constant 16 : i32
        %mul3A_108 = arith.muli %scan3A_35, %mul3A_107 : i32
        %add3A_109 = arith.constant 6 : i32
        %add3A_110 = arith.addi %mul3A_108, %add3A_109 : i32
        %mul3A_111 = arith.constant 128 : i32
        %mul3A_112 = arith.muli %add3A_110, %mul3A_111 : i32
        %dma_start3A_113 = tpu.memref_slice %arg6[%mul3A_112] : memref<20480xf32, #tpu.memory_space<vmem>> -> memref<128xf32, #tpu.memory_space<vmem>>
        %dma_start3A_114 = arith.constant 0 : i32
        %dma_start3A_115 = tpu.memref_slice %arg7[%add3A_110, %dma_start3A_114] : memref<160x128xi32, #tpu.memory_space<vmem>> -> memref<1x128xi32, #tpu.memory_space<vmem>>
        %dma_start3A_116 = tpu.memref_squeeze %dma_start3A_115 : memref<1x128xi32, #tpu.memory_space<vmem>> -> memref<128xi32, #tpu.memory_space<vmem>>
        %dma_start3A_117 = arith.constant 0 : i32
        %dma_start3A_118 = tpu.memref_slice %arg10[%dma_start3A_117] : memref<10240xf32, #tpu.memory_space<vmem_shared>> -> memref<10240xf32, #tpu.memory_space<vmem_shared>>
        tpu.enqueue_indirect_dma source(%dma_start3A_113 : memref<128xf32, #tpu.memory_space<vmem>>) target(%dma_start3A_118 : memref<10240xf32, #tpu.memory_space<vmem_shared>>) offsets(%dma_start3A_116 : memref<128xi32, #tpu.memory_space<vmem>>) semaphore(%arg11 : memref<!tpu.dma_semaphore, #tpu.memory_space<semaphore_mem>>) {add = true}
        %mul3A_119 = arith.constant 16 : i32
        %mul3A_120 = arith.muli %scan3A_35, %mul3A_119 : i32
        %add3A_121 = arith.constant 7 : i32
        %add3A_122 = arith.addi %mul3A_120, %add3A_121 : i32
        %mul3A_123 = arith.constant 128 : i32
        %mul3A_124 = arith.muli %add3A_122, %mul3A_123 : i32
        %dma_start3A_125 = tpu.memref_slice %arg6[%mul3A_124] : memref<20480xf32, #tpu.memory_space<vmem>> -> memref<128xf32, #tpu.memory_space<vmem>>
        %dma_start3A_126 = arith.constant 0 : i32
        %dma_start3A_127 = tpu.memref_slice %arg7[%add3A_122, %dma_start3A_126] : memref<160x128xi32, #tpu.memory_space<vmem>> -> memref<1x128xi32, #tpu.memory_space<vmem>>
        %dma_start3A_128 = tpu.memref_squeeze %dma_start3A_127 : memref<1x128xi32, #tpu.memory_space<vmem>> -> memref<128xi32, #tpu.memory_space<vmem>>
        %dma_start3A_129 = arith.constant 0 : i32
        %dma_start3A_130 = tpu.memref_slice %arg10[%dma_start3A_129] : memref<10240xf32, #tpu.memory_space<vmem_shared>> -> memref<10240xf32, #tpu.memory_space<vmem_shared>>
        tpu.enqueue_indirect_dma source(%dma_start3A_125 : memref<128xf32, #tpu.memory_space<vmem>>) target(%dma_start3A_130 : memref<10240xf32, #tpu.memory_space<vmem_shared>>) offsets(%dma_start3A_128 : memref<128xi32, #tpu.memory_space<vmem>>) semaphore(%arg11 : memref<!tpu.dma_semaphore, #tpu.memory_space<semaphore_mem>>) {add = true}
        %mul3A_131 = arith.constant 16 : i32
        %mul3A_132 = arith.muli %scan3A_35, %mul3A_131 : i32
        %add3A_133 = arith.constant 8 : i32
        %add3A_134 = arith.addi %mul3A_132, %add3A_133 : i32
        %mul3A_135 = arith.constant 128 : i32
        %mul3A_136 = arith.muli %add3A_134, %mul3A_135 : i32
        %dma_start3A_137 = tpu.memref_slice %arg6[%mul3A_136] : memref<20480xf32, #tpu.memory_space<vmem>> -> memref<128xf32, #tpu.memory_space<vmem>>
        %dma_start3A_138 = arith.constant 0 : i32
        %dma_start3A_139 = tpu.memref_slice %arg7[%add3A_134, %dma_start3A_138] : memref<160x128xi32, #tpu.memory_space<vmem>> -> memref<1x128xi32, #tpu.memory_space<vmem>>
        %dma_start3A_140 = tpu.memref_squeeze %dma_start3A_139 : memref<1x128xi32, #tpu.memory_space<vmem>> -> memref<128xi32, #tpu.memory_space<vmem>>
        %dma_start3A_141 = arith.constant 0 : i32
        %dma_start3A_142 = tpu.memref_slice %arg10[%dma_start3A_141] : memref<10240xf32, #tpu.memory_space<vmem_shared>> -> memref<10240xf32, #tpu.memory_space<vmem_shared>>
        tpu.enqueue_indirect_dma source(%dma_start3A_137 : memref<128xf32, #tpu.memory_space<vmem>>) target(%dma_start3A_142 : memref<10240xf32, #tpu.memory_space<vmem_shared>>) offsets(%dma_start3A_140 : memref<128xi32, #tpu.memory_space<vmem>>) semaphore(%arg11 : memref<!tpu.dma_semaphore, #tpu.memory_space<semaphore_mem>>) {add = true}
        %mul3A_143 = arith.constant 16 : i32
        %mul3A_144 = arith.muli %scan3A_35, %mul3A_143 : i32
        %add3A_145 = arith.constant 9 : i32
        %add3A_146 = arith.addi %mul3A_144, %add3A_145 : i32
        %mul3A_147 = arith.constant 128 : i32
        %mul3A_148 = arith.muli %add3A_146, %mul3A_147 : i32
        %dma_start3A_149 = tpu.memref_slice %arg6[%mul3A_148] : memref<20480xf32, #tpu.memory_space<vmem>> -> memref<128xf32, #tpu.memory_space<vmem>>
        %dma_start3A_150 = arith.constant 0 : i32
        %dma_start3A_151 = tpu.memref_slice %arg7[%add3A_146, %dma_start3A_150] : memref<160x128xi32, #tpu.memory_space<vmem>> -> memref<1x128xi32, #tpu.memory_space<vmem>>
        %dma_start3A_152 = tpu.memref_squeeze %dma_start3A_151 : memref<1x128xi32, #tpu.memory_space<vmem>> -> memref<128xi32, #tpu.memory_space<vmem>>
        %dma_start3A_153 = arith.constant 0 : i32
        %dma_start3A_154 = tpu.memref_slice %arg10[%dma_start3A_153] : memref<10240xf32, #tpu.memory_space<vmem_shared>> -> memref<10240xf32, #tpu.memory_space<vmem_shared>>
        tpu.enqueue_indirect_dma source(%dma_start3A_149 : memref<128xf32, #tpu.memory_space<vmem>>) target(%dma_start3A_154 : memref<10240xf32, #tpu.memory_space<vmem_shared>>) offsets(%dma_start3A_152 : memref<128xi32, #tpu.memory_space<vmem>>) semaphore(%arg11 : memref<!tpu.dma_semaphore, #tpu.memory_space<semaphore_mem>>) {add = true}
        %mul3A_155 = arith.constant 16 : i32
        %mul3A_156 = arith.muli %scan3A_35, %mul3A_155 : i32
        %add3A_157 = arith.constant 10 : i32
        %add3A_158 = arith.addi %mul3A_156, %add3A_157 : i32
        %mul3A_159 = arith.constant 128 : i32
        %mul3A_160 = arith.muli %add3A_158, %mul3A_159 : i32
        %dma_start3A_161 = tpu.memref_slice %arg6[%mul3A_160] : memref<20480xf32, #tpu.memory_space<vmem>> -> memref<128xf32, #tpu.memory_space<vmem>>
        %dma_start3A_162 = arith.constant 0 : i32
        %dma_start3A_163 = tpu.memref_slice %arg7[%add3A_158, %dma_start3A_162] : memref<160x128xi32, #tpu.memory_space<vmem>> -> memref<1x128xi32, #tpu.memory_space<vmem>>
        %dma_start3A_164 = tpu.memref_squeeze %dma_start3A_163 : memref<1x128xi32, #tpu.memory_space<vmem>> -> memref<128xi32, #tpu.memory_space<vmem>>
        %dma_start3A_165 = arith.constant 0 : i32
        %dma_start3A_166 = tpu.memref_slice %arg10[%dma_start3A_165] : memref<10240xf32, #tpu.memory_space<vmem_shared>> -> memref<10240xf32, #tpu.memory_space<vmem_shared>>
        tpu.enqueue_indirect_dma source(%dma_start3A_161 : memref<128xf32, #tpu.memory_space<vmem>>) target(%dma_start3A_166 : memref<10240xf32, #tpu.memory_space<vmem_shared>>) offsets(%dma_start3A_164 : memref<128xi32, #tpu.memory_space<vmem>>) semaphore(%arg11 : memref<!tpu.dma_semaphore, #tpu.memory_space<semaphore_mem>>) {add = true}
        %mul3A_167 = arith.constant 16 : i32
        %mul3A_168 = arith.muli %scan3A_35, %mul3A_167 : i32
        %add3A_169 = arith.constant 11 : i32
        %add3A_170 = arith.addi %mul3A_168, %add3A_169 : i32
        %mul3A_171 = arith.constant 128 : i32
        %mul3A_172 = arith.muli %add3A_170, %mul3A_171 : i32
        %dma_start3A_173 = tpu.memref_slice %arg6[%mul3A_172] : memref<20480xf32, #tpu.memory_space<vmem>> -> memref<128xf32, #tpu.memory_space<vmem>>
        %dma_start3A_174 = arith.constant 0 : i32
        %dma_start3A_175 = tpu.memref_slice %arg7[%add3A_170, %dma_start3A_174] : memref<160x128xi32, #tpu.memory_space<vmem>> -> memref<1x128xi32, #tpu.memory_space<vmem>>
        %dma_start3A_176 = tpu.memref_squeeze %dma_start3A_175 : memref<1x128xi32, #tpu.memory_space<vmem>> -> memref<128xi32, #tpu.memory_space<vmem>>
        %dma_start3A_177 = arith.constant 0 : i32
        %dma_start3A_178 = tpu.memref_slice %arg10[%dma_start3A_177] : memref<10240xf32, #tpu.memory_space<vmem_shared>> -> memref<10240xf32, #tpu.memory_space<vmem_shared>>
        tpu.enqueue_indirect_dma source(%dma_start3A_173 : memref<128xf32, #tpu.memory_space<vmem>>) target(%dma_start3A_178 : memref<10240xf32, #tpu.memory_space<vmem_shared>>) offsets(%dma_start3A_176 : memref<128xi32, #tpu.memory_space<vmem>>) semaphore(%arg11 : memref<!tpu.dma_semaphore, #tpu.memory_space<semaphore_mem>>) {add = true}
        %mul3A_179 = arith.constant 16 : i32
        %mul3A_180 = arith.muli %scan3A_35, %mul3A_179 : i32
        %add3A_181 = arith.constant 12 : i32
        %add3A_182 = arith.addi %mul3A_180, %add3A_181 : i32
        %mul3A_183 = arith.constant 128 : i32
        %mul3A_184 = arith.muli %add3A_182, %mul3A_183 : i32
        %dma_start3A_185 = tpu.memref_slice %arg6[%mul3A_184] : memref<20480xf32, #tpu.memory_space<vmem>> -> memref<128xf32, #tpu.memory_space<vmem>>
        %dma_start3A_186 = arith.constant 0 : i32
        %dma_start3A_187 = tpu.memref_slice %arg7[%add3A_182, %dma_start3A_186] : memref<160x128xi32, #tpu.memory_space<vmem>> -> memref<1x128xi32, #tpu.memory_space<vmem>>
        %dma_start3A_188 = tpu.memref_squeeze %dma_start3A_187 : memref<1x128xi32, #tpu.memory_space<vmem>> -> memref<128xi32, #tpu.memory_space<vmem>>
        %dma_start3A_189 = arith.constant 0 : i32
        %dma_start3A_190 = tpu.memref_slice %arg10[%dma_start3A_189] : memref<10240xf32, #tpu.memory_space<vmem_shared>> -> memref<10240xf32, #tpu.memory_space<vmem_shared>>
        tpu.enqueue_indirect_dma source(%dma_start3A_185 : memref<128xf32, #tpu.memory_space<vmem>>) target(%dma_start3A_190 : memref<10240xf32, #tpu.memory_space<vmem_shared>>) offsets(%dma_start3A_188 : memref<128xi32, #tpu.memory_space<vmem>>) semaphore(%arg11 : memref<!tpu.dma_semaphore, #tpu.memory_space<semaphore_mem>>) {add = true}
        %mul3A_191 = arith.constant 16 : i32
        %mul3A_192 = arith.muli %scan3A_35, %mul3A_191 : i32
        %add3A_193 = arith.constant 13 : i32
        %add3A_194 = arith.addi %mul3A_192, %add3A_193 : i32
        %mul3A_195 = arith.constant 128 : i32
        %mul3A_196 = arith.muli %add3A_194, %mul3A_195 : i32
        %dma_start3A_197 = tpu.memref_slice %arg6[%mul3A_196] : memref<20480xf32, #tpu.memory_space<vmem>> -> memref<128xf32, #tpu.memory_space<vmem>>
        %dma_start3A_198 = arith.constant 0 : i32
        %dma_start3A_199 = tpu.memref_slice %arg7[%add3A_194, %dma_start3A_198] : memref<160x128xi32, #tpu.memory_space<vmem>> -> memref<1x128xi32, #tpu.memory_space<vmem>>
        %dma_start3A_200 = tpu.memref_squeeze %dma_start3A_199 : memref<1x128xi32, #tpu.memory_space<vmem>> -> memref<128xi32, #tpu.memory_space<vmem>>
        %dma_start3A_201 = arith.constant 0 : i32
        %dma_start3A_202 = tpu.memref_slice %arg10[%dma_start3A_201] : memref<10240xf32, #tpu.memory_space<vmem_shared>> -> memref<10240xf32, #tpu.memory_space<vmem_shared>>
        tpu.enqueue_indirect_dma source(%dma_start3A_197 : memref<128xf32, #tpu.memory_space<vmem>>) target(%dma_start3A_202 : memref<10240xf32, #tpu.memory_space<vmem_shared>>) offsets(%dma_start3A_200 : memref<128xi32, #tpu.memory_space<vmem>>) semaphore(%arg11 : memref<!tpu.dma_semaphore, #tpu.memory_space<semaphore_mem>>) {add = true}
        %mul3A_203 = arith.constant 16 : i32
        %mul3A_204 = arith.muli %scan3A_35, %mul3A_203 : i32
        %add3A_205 = arith.constant 14 : i32
        %add3A_206 = arith.addi %mul3A_204, %add3A_205 : i32
        %mul3A_207 = arith.constant 128 : i32
        %mul3A_208 = arith.muli %add3A_206, %mul3A_207 : i32
        %dma_start3A_209 = tpu.memref_slice %arg6[%mul3A_208] : memref<20480xf32, #tpu.memory_space<vmem>> -> memref<128xf32, #tpu.memory_space<vmem>>
        %dma_start3A_210 = arith.constant 0 : i32
        %dma_start3A_211 = tpu.memref_slice %arg7[%add3A_206, %dma_start3A_210] : memref<160x128xi32, #tpu.memory_space<vmem>> -> memref<1x128xi32, #tpu.memory_space<vmem>>
        %dma_start3A_212 = tpu.memref_squeeze %dma_start3A_211 : memref<1x128xi32, #tpu.memory_space<vmem>> -> memref<128xi32, #tpu.memory_space<vmem>>
        %dma_start3A_213 = arith.constant 0 : i32
        %dma_start3A_214 = tpu.memref_slice %arg10[%dma_start3A_213] : memref<10240xf32, #tpu.memory_space<vmem_shared>> -> memref<10240xf32, #tpu.memory_space<vmem_shared>>
        tpu.enqueue_indirect_dma source(%dma_start3A_209 : memref<128xf32, #tpu.memory_space<vmem>>) target(%dma_start3A_214 : memref<10240xf32, #tpu.memory_space<vmem_shared>>) offsets(%dma_start3A_212 : memref<128xi32, #tpu.memory_space<vmem>>) semaphore(%arg11 : memref<!tpu.dma_semaphore, #tpu.memory_space<semaphore_mem>>) {add = true}
        %mul3A_215 = arith.constant 16 : i32
        %mul3A_216 = arith.muli %scan3A_35, %mul3A_215 : i32
        %add3A_217 = arith.constant 15 : i32
        %add3A_218 = arith.addi %mul3A_216, %add3A_217 : i32
        %mul3A_219 = arith.constant 128 : i32
        %mul3A_220 = arith.muli %add3A_218, %mul3A_219 : i32
        %dma_start3A_221 = tpu.memref_slice %arg6[%mul3A_220] : memref<20480xf32, #tpu.memory_space<vmem>> -> memref<128xf32, #tpu.memory_space<vmem>>
        %dma_start3A_222 = arith.constant 0 : i32
        %dma_start3A_223 = tpu.memref_slice %arg7[%add3A_218, %dma_start3A_222] : memref<160x128xi32, #tpu.memory_space<vmem>> -> memref<1x128xi32, #tpu.memory_space<vmem>>
        %dma_start3A_224 = tpu.memref_squeeze %dma_start3A_223 : memref<1x128xi32, #tpu.memory_space<vmem>> -> memref<128xi32, #tpu.memory_space<vmem>>
        %dma_start3A_225 = arith.constant 0 : i32
        %dma_start3A_226 = tpu.memref_slice %arg10[%dma_start3A_225] : memref<10240xf32, #tpu.memory_space<vmem_shared>> -> memref<10240xf32, #tpu.memory_space<vmem_shared>>
        tpu.enqueue_indirect_dma source(%dma_start3A_221 : memref<128xf32, #tpu.memory_space<vmem>>) target(%dma_start3A_226 : memref<10240xf32, #tpu.memory_space<vmem_shared>>) offsets(%dma_start3A_224 : memref<128xi32, #tpu.memory_space<vmem>>) semaphore(%arg11 : memref<!tpu.dma_semaphore, #tpu.memory_space<semaphore_mem>>) {add = true}
        %dma_wait3A = tpu.memref_slice %arg6[%mul3A_41] : memref<20480xf32, #tpu.memory_space<vmem>> -> memref<128xf32, #tpu.memory_space<vmem>>
        %dma_wait3A_227 = arith.constant 0 : i32
        %dma_wait3A_228 = tpu.memref_slice %arg7[%add3A_39, %dma_wait3A_227] : memref<160x128xi32, #tpu.memory_space<vmem>> -> memref<1x128xi32, #tpu.memory_space<vmem>>
        %dma_wait3A_229 = tpu.memref_squeeze %dma_wait3A_228 : memref<1x128xi32, #tpu.memory_space<vmem>> -> memref<128xi32, #tpu.memory_space<vmem>>
        %dma_wait3A_230 = arith.constant 0 : i32
        %dma_wait3A_231 = tpu.memref_slice %arg10[%dma_wait3A_230] : memref<10240xf32, #tpu.memory_space<vmem_shared>> -> memref<10240xf32, #tpu.memory_space<vmem_shared>>
        tpu.wait_indirect_dma semaphore(%arg11 : memref<!tpu.dma_semaphore, #tpu.memory_space<semaphore_mem>>) src(%dma_wait3A : memref<128xf32, #tpu.memory_space<vmem>>) dst(%dma_wait3A_231 : memref<10240xf32, #tpu.memory_space<vmem_shared>>)
        %dma_wait3A_232 = tpu.memref_slice %arg6[%mul3A_52] : memref<20480xf32, #tpu.memory_space<vmem>> -> memref<128xf32, #tpu.memory_space<vmem>>
        %dma_wait3A_233 = arith.constant 0 : i32
        %dma_wait3A_234 = tpu.memref_slice %arg7[%add3A_50, %dma_wait3A_233] : memref<160x128xi32, #tpu.memory_space<vmem>> -> memref<1x128xi32, #tpu.memory_space<vmem>>
        %dma_wait3A_235 = tpu.memref_squeeze %dma_wait3A_234 : memref<1x128xi32, #tpu.memory_space<vmem>> -> memref<128xi32, #tpu.memory_space<vmem>>
        %dma_wait3A_236 = arith.constant 0 : i32
        %dma_wait3A_237 = tpu.memref_slice %arg10[%dma_wait3A_236] : memref<10240xf32, #tpu.memory_space<vmem_shared>> -> memref<10240xf32, #tpu.memory_space<vmem_shared>>
        tpu.wait_indirect_dma semaphore(%arg11 : memref<!tpu.dma_semaphore, #tpu.memory_space<semaphore_mem>>) src(%dma_wait3A_232 : memref<128xf32, #tpu.memory_space<vmem>>) dst(%dma_wait3A_237 : memref<10240xf32, #tpu.memory_space<vmem_shared>>)
        %dma_wait3A_238 = tpu.memref_slice %arg6[%mul3A_64] : memref<20480xf32, #tpu.memory_space<vmem>> -> memref<128xf32, #tpu.memory_space<vmem>>
        %dma_wait3A_239 = arith.constant 0 : i32
        %dma_wait3A_240 = tpu.memref_slice %arg7[%add3A_62, %dma_wait3A_239] : memref<160x128xi32, #tpu.memory_space<vmem>> -> memref<1x128xi32, #tpu.memory_space<vmem>>
        %dma_wait3A_241 = tpu.memref_squeeze %dma_wait3A_240 : memref<1x128xi32, #tpu.memory_space<vmem>> -> memref<128xi32, #tpu.memory_space<vmem>>
        %dma_wait3A_242 = arith.constant 0 : i32
        %dma_wait3A_243 = tpu.memref_slice %arg10[%dma_wait3A_242] : memref<10240xf32, #tpu.memory_space<vmem_shared>> -> memref<10240xf32, #tpu.memory_space<vmem_shared>>
        tpu.wait_indirect_dma semaphore(%arg11 : memref<!tpu.dma_semaphore, #tpu.memory_space<semaphore_mem>>) src(%dma_wait3A_238 : memref<128xf32, #tpu.memory_space<vmem>>) dst(%dma_wait3A_243 : memref<10240xf32, #tpu.memory_space<vmem_shared>>)
        %dma_wait3A_244 = tpu.memref_slice %arg6[%mul3A_76] : memref<20480xf32, #tpu.memory_space<vmem>> -> memref<128xf32, #tpu.memory_space<vmem>>
        %dma_wait3A_245 = arith.constant 0 : i32
        %dma_wait3A_246 = tpu.memref_slice %arg7[%add3A_74, %dma_wait3A_245] : memref<160x128xi32, #tpu.memory_space<vmem>> -> memref<1x128xi32, #tpu.memory_space<vmem>>
        %dma_wait3A_247 = tpu.memref_squeeze %dma_wait3A_246 : memref<1x128xi32, #tpu.memory_space<vmem>> -> memref<128xi32, #tpu.memory_space<vmem>>
        %dma_wait3A_248 = arith.constant 0 : i32
        %dma_wait3A_249 = tpu.memref_slice %arg10[%dma_wait3A_248] : memref<10240xf32, #tpu.memory_space<vmem_shared>> -> memref<10240xf32, #tpu.memory_space<vmem_shared>>
        tpu.wait_indirect_dma semaphore(%arg11 : memref<!tpu.dma_semaphore, #tpu.memory_space<semaphore_mem>>) src(%dma_wait3A_244 : memref<128xf32, #tpu.memory_space<vmem>>) dst(%dma_wait3A_249 : memref<10240xf32, #tpu.memory_space<vmem_shared>>)
        %dma_wait3A_250 = tpu.memref_slice %arg6[%mul3A_88] : memref<20480xf32, #tpu.memory_space<vmem>> -> memref<128xf32, #tpu.memory_space<vmem>>
        %dma_wait3A_251 = arith.constant 0 : i32
        %dma_wait3A_252 = tpu.memref_slice %arg7[%add3A_86, %dma_wait3A_251] : memref<160x128xi32, #tpu.memory_space<vmem>> -> memref<1x128xi32, #tpu.memory_space<vmem>>
        %dma_wait3A_253 = tpu.memref_squeeze %dma_wait3A_252 : memref<1x128xi32, #tpu.memory_space<vmem>> -> memref<128xi32, #tpu.memory_space<vmem>>
        %dma_wait3A_254 = arith.constant 0 : i32
        %dma_wait3A_255 = tpu.memref_slice %arg10[%dma_wait3A_254] : memref<10240xf32, #tpu.memory_space<vmem_shared>> -> memref<10240xf32, #tpu.memory_space<vmem_shared>>
        tpu.wait_indirect_dma semaphore(%arg11 : memref<!tpu.dma_semaphore, #tpu.memory_space<semaphore_mem>>) src(%dma_wait3A_250 : memref<128xf32, #tpu.memory_space<vmem>>) dst(%dma_wait3A_255 : memref<10240xf32, #tpu.memory_space<vmem_shared>>)
        %dma_wait3A_256 = tpu.memref_slice %arg6[%mul3A_100] : memref<20480xf32, #tpu.memory_space<vmem>> -> memref<128xf32, #tpu.memory_space<vmem>>
        %dma_wait3A_257 = arith.constant 0 : i32
        %dma_wait3A_258 = tpu.memref_slice %arg7[%add3A_98, %dma_wait3A_257] : memref<160x128xi32, #tpu.memory_space<vmem>> -> memref<1x128xi32, #tpu.memory_space<vmem>>
        %dma_wait3A_259 = tpu.memref_squeeze %dma_wait3A_258 : memref<1x128xi32, #tpu.memory_space<vmem>> -> memref<128xi32, #tpu.memory_space<vmem>>
        %dma_wait3A_260 = arith.constant 0 : i32
        %dma_wait3A_261 = tpu.memref_slice %arg10[%dma_wait3A_260] : memref<10240xf32, #tpu.memory_space<vmem_shared>> -> memref<10240xf32, #tpu.memory_space<vmem_shared>>
        tpu.wait_indirect_dma semaphore(%arg11 : memref<!tpu.dma_semaphore, #tpu.memory_space<semaphore_mem>>) src(%dma_wait3A_256 : memref<128xf32, #tpu.memory_space<vmem>>) dst(%dma_wait3A_261 : memref<10240xf32, #tpu.memory_space<vmem_shared>>)
        %dma_wait3A_262 = tpu.memref_slice %arg6[%mul3A_112] : memref<20480xf32, #tpu.memory_space<vmem>> -> memref<128xf32, #tpu.memory_space<vmem>>
        %dma_wait3A_263 = arith.constant 0 : i32
        %dma_wait3A_264 = tpu.memref_slice %arg7[%add3A_110, %dma_wait3A_263] : memref<160x128xi32, #tpu.memory_space<vmem>> -> memref<1x128xi32, #tpu.memory_space<vmem>>
        %dma_wait3A_265 = tpu.memref_squeeze %dma_wait3A_264 : memref<1x128xi32, #tpu.memory_space<vmem>> -> memref<128xi32, #tpu.memory_space<vmem>>
        %dma_wait3A_266 = arith.constant 0 : i32
        %dma_wait3A_267 = tpu.memref_slice %arg10[%dma_wait3A_266] : memref<10240xf32, #tpu.memory_space<vmem_shared>> -> memref<10240xf32, #tpu.memory_space<vmem_shared>>
        tpu.wait_indirect_dma semaphore(%arg11 : memref<!tpu.dma_semaphore, #tpu.memory_space<semaphore_mem>>) src(%dma_wait3A_262 : memref<128xf32, #tpu.memory_space<vmem>>) dst(%dma_wait3A_267 : memref<10240xf32, #tpu.memory_space<vmem_shared>>)
        %dma_wait3A_268 = tpu.memref_slice %arg6[%mul3A_124] : memref<20480xf32, #tpu.memory_space<vmem>> -> memref<128xf32, #tpu.memory_space<vmem>>
        %dma_wait3A_269 = arith.constant 0 : i32
        %dma_wait3A_270 = tpu.memref_slice %arg7[%add3A_122, %dma_wait3A_269] : memref<160x128xi32, #tpu.memory_space<vmem>> -> memref<1x128xi32, #tpu.memory_space<vmem>>
        %dma_wait3A_271 = tpu.memref_squeeze %dma_wait3A_270 : memref<1x128xi32, #tpu.memory_space<vmem>> -> memref<128xi32, #tpu.memory_space<vmem>>
        %dma_wait3A_272 = arith.constant 0 : i32
        %dma_wait3A_273 = tpu.memref_slice %arg10[%dma_wait3A_272] : memref<10240xf32, #tpu.memory_space<vmem_shared>> -> memref<10240xf32, #tpu.memory_space<vmem_shared>>
        tpu.wait_indirect_dma semaphore(%arg11 : memref<!tpu.dma_semaphore, #tpu.memory_space<semaphore_mem>>) src(%dma_wait3A_268 : memref<128xf32, #tpu.memory_space<vmem>>) dst(%dma_wait3A_273 : memref<10240xf32, #tpu.memory_space<vmem_shared>>)
        %dma_wait3A_274 = tpu.memref_slice %arg6[%mul3A_136] : memref<20480xf32, #tpu.memory_space<vmem>> -> memref<128xf32, #tpu.memory_space<vmem>>
        %dma_wait3A_275 = arith.constant 0 : i32
        %dma_wait3A_276 = tpu.memref_slice %arg7[%add3A_134, %dma_wait3A_275] : memref<160x128xi32, #tpu.memory_space<vmem>> -> memref<1x128xi32, #tpu.memory_space<vmem>>
        %dma_wait3A_277 = tpu.memref_squeeze %dma_wait3A_276 : memref<1x128xi32, #tpu.memory_space<vmem>> -> memref<128xi32, #tpu.memory_space<vmem>>
        %dma_wait3A_278 = arith.constant 0 : i32
        %dma_wait3A_279 = tpu.memref_slice %arg10[%dma_wait3A_278] : memref<10240xf32, #tpu.memory_space<vmem_shared>> -> memref<10240xf32, #tpu.memory_space<vmem_shared>>
        tpu.wait_indirect_dma semaphore(%arg11 : memref<!tpu.dma_semaphore, #tpu.memory_space<semaphore_mem>>) src(%dma_wait3A_274 : memref<128xf32, #tpu.memory_space<vmem>>) dst(%dma_wait3A_279 : memref<10240xf32, #tpu.memory_space<vmem_shared>>)
        %dma_wait3A_280 = tpu.memref_slice %arg6[%mul3A_148] : memref<20480xf32, #tpu.memory_space<vmem>> -> memref<128xf32, #tpu.memory_space<vmem>>
        %dma_wait3A_281 = arith.constant 0 : i32
        %dma_wait3A_282 = tpu.memref_slice %arg7[%add3A_146, %dma_wait3A_281] : memref<160x128xi32, #tpu.memory_space<vmem>> -> memref<1x128xi32, #tpu.memory_space<vmem>>
        %dma_wait3A_283 = tpu.memref_squeeze %dma_wait3A_282 : memref<1x128xi32, #tpu.memory_space<vmem>> -> memref<128xi32, #tpu.memory_space<vmem>>
        %dma_wait3A_284 = arith.constant 0 : i32
        %dma_wait3A_285 = tpu.memref_slice %arg10[%dma_wait3A_284] : memref<10240xf32, #tpu.memory_space<vmem_shared>> -> memref<10240xf32, #tpu.memory_space<vmem_shared>>
        tpu.wait_indirect_dma semaphore(%arg11 : memref<!tpu.dma_semaphore, #tpu.memory_space<semaphore_mem>>) src(%dma_wait3A_280 : memref<128xf32, #tpu.memory_space<vmem>>) dst(%dma_wait3A_285 : memref<10240xf32, #tpu.memory_space<vmem_shared>>)
        %dma_wait3A_286 = tpu.memref_slice %arg6[%mul3A_160] : memref<20480xf32, #tpu.memory_space<vmem>> -> memref<128xf32, #tpu.memory_space<vmem>>
        %dma_wait3A_287 = arith.constant 0 : i32
        %dma_wait3A_288 = tpu.memref_slice %arg7[%add3A_158, %dma_wait3A_287] : memref<160x128xi32, #tpu.memory_space<vmem>> -> memref<1x128xi32, #tpu.memory_space<vmem>>
        %dma_wait3A_289 = tpu.memref_squeeze %dma_wait3A_288 : memref<1x128xi32, #tpu.memory_space<vmem>> -> memref<128xi32, #tpu.memory_space<vmem>>
        %dma_wait3A_290 = arith.constant 0 : i32
        %dma_wait3A_291 = tpu.memref_slice %arg10[%dma_wait3A_290] : memref<10240xf32, #tpu.memory_space<vmem_shared>> -> memref<10240xf32, #tpu.memory_space<vmem_shared>>
        tpu.wait_indirect_dma semaphore(%arg11 : memref<!tpu.dma_semaphore, #tpu.memory_space<semaphore_mem>>) src(%dma_wait3A_286 : memref<128xf32, #tpu.memory_space<vmem>>) dst(%dma_wait3A_291 : memref<10240xf32, #tpu.memory_space<vmem_shared>>)
        %dma_wait3A_292 = tpu.memref_slice %arg6[%mul3A_172] : memref<20480xf32, #tpu.memory_space<vmem>> -> memref<128xf32, #tpu.memory_space<vmem>>
        %dma_wait3A_293 = arith.constant 0 : i32
        %dma_wait3A_294 = tpu.memref_slice %arg7[%add3A_170, %dma_wait3A_293] : memref<160x128xi32, #tpu.memory_space<vmem>> -> memref<1x128xi32, #tpu.memory_space<vmem>>
        %dma_wait3A_295 = tpu.memref_squeeze %dma_wait3A_294 : memref<1x128xi32, #tpu.memory_space<vmem>> -> memref<128xi32, #tpu.memory_space<vmem>>
        %dma_wait3A_296 = arith.constant 0 : i32
        %dma_wait3A_297 = tpu.memref_slice %arg10[%dma_wait3A_296] : memref<10240xf32, #tpu.memory_space<vmem_shared>> -> memref<10240xf32, #tpu.memory_space<vmem_shared>>
        tpu.wait_indirect_dma semaphore(%arg11 : memref<!tpu.dma_semaphore, #tpu.memory_space<semaphore_mem>>) src(%dma_wait3A_292 : memref<128xf32, #tpu.memory_space<vmem>>) dst(%dma_wait3A_297 : memref<10240xf32, #tpu.memory_space<vmem_shared>>)
        %dma_wait3A_298 = tpu.memref_slice %arg6[%mul3A_184] : memref<20480xf32, #tpu.memory_space<vmem>> -> memref<128xf32, #tpu.memory_space<vmem>>
        %dma_wait3A_299 = arith.constant 0 : i32
        %dma_wait3A_300 = tpu.memref_slice %arg7[%add3A_182, %dma_wait3A_299] : memref<160x128xi32, #tpu.memory_space<vmem>> -> memref<1x128xi32, #tpu.memory_space<vmem>>
        %dma_wait3A_301 = tpu.memref_squeeze %dma_wait3A_300 : memref<1x128xi32, #tpu.memory_space<vmem>> -> memref<128xi32, #tpu.memory_space<vmem>>
        %dma_wait3A_302 = arith.constant 0 : i32
        %dma_wait3A_303 = tpu.memref_slice %arg10[%dma_wait3A_302] : memref<10240xf32, #tpu.memory_space<vmem_shared>> -> memref<10240xf32, #tpu.memory_space<vmem_shared>>
        tpu.wait_indirect_dma semaphore(%arg11 : memref<!tpu.dma_semaphore, #tpu.memory_space<semaphore_mem>>) src(%dma_wait3A_298 : memref<128xf32, #tpu.memory_space<vmem>>) dst(%dma_wait3A_303 : memref<10240xf32, #tpu.memory_space<vmem_shared>>)
        %dma_wait3A_304 = tpu.memref_slice %arg6[%mul3A_196] : memref<20480xf32, #tpu.memory_space<vmem>> -> memref<128xf32, #tpu.memory_space<vmem>>
        %dma_wait3A_305 = arith.constant 0 : i32
        %dma_wait3A_306 = tpu.memref_slice %arg7[%add3A_194, %dma_wait3A_305] : memref<160x128xi32, #tpu.memory_space<vmem>> -> memref<1x128xi32, #tpu.memory_space<vmem>>
        %dma_wait3A_307 = tpu.memref_squeeze %dma_wait3A_306 : memref<1x128xi32, #tpu.memory_space<vmem>> -> memref<128xi32, #tpu.memory_space<vmem>>
        %dma_wait3A_308 = arith.constant 0 : i32
        %dma_wait3A_309 = tpu.memref_slice %arg10[%dma_wait3A_308] : memref<10240xf32, #tpu.memory_space<vmem_shared>> -> memref<10240xf32, #tpu.memory_space<vmem_shared>>
        tpu.wait_indirect_dma semaphore(%arg11 : memref<!tpu.dma_semaphore, #tpu.memory_space<semaphore_mem>>) src(%dma_wait3A_304 : memref<128xf32, #tpu.memory_space<vmem>>) dst(%dma_wait3A_309 : memref<10240xf32, #tpu.memory_space<vmem_shared>>)
        %dma_wait3A_310 = tpu.memref_slice %arg6[%mul3A_208] : memref<20480xf32, #tpu.memory_space<vmem>> -> memref<128xf32, #tpu.memory_space<vmem>>
        %dma_wait3A_311 = arith.constant 0 : i32
        %dma_wait3A_312 = tpu.memref_slice %arg7[%add3A_206, %dma_wait3A_311] : memref<160x128xi32, #tpu.memory_space<vmem>> -> memref<1x128xi32, #tpu.memory_space<vmem>>
        %dma_wait3A_313 = tpu.memref_squeeze %dma_wait3A_312 : memref<1x128xi32, #tpu.memory_space<vmem>> -> memref<128xi32, #tpu.memory_space<vmem>>
        %dma_wait3A_314 = arith.constant 0 : i32
        %dma_wait3A_315 = tpu.memref_slice %arg10[%dma_wait3A_314] : memref<10240xf32, #tpu.memory_space<vmem_shared>> -> memref<10240xf32, #tpu.memory_space<vmem_shared>>
        tpu.wait_indirect_dma semaphore(%arg11 : memref<!tpu.dma_semaphore, #tpu.memory_space<semaphore_mem>>) src(%dma_wait3A_310 : memref<128xf32, #tpu.memory_space<vmem>>) dst(%dma_wait3A_315 : memref<10240xf32, #tpu.memory_space<vmem_shared>>)
        %dma_wait3A_316 = tpu.memref_slice %arg6[%mul3A_220] : memref<20480xf32, #tpu.memory_space<vmem>> -> memref<128xf32, #tpu.memory_space<vmem>>
        %dma_wait3A_317 = arith.constant 0 : i32
        %dma_wait3A_318 = tpu.memref_slice %arg7[%add3A_218, %dma_wait3A_317] : memref<160x128xi32, #tpu.memory_space<vmem>> -> memref<1x128xi32, #tpu.memory_space<vmem>>
        %dma_wait3A_319 = tpu.memref_squeeze %dma_wait3A_318 : memref<1x128xi32, #tpu.memory_space<vmem>> -> memref<128xi32, #tpu.memory_space<vmem>>
        %dma_wait3A_320 = arith.constant 0 : i32
        %dma_wait3A_321 = tpu.memref_slice %arg10[%dma_wait3A_320] : memref<10240xf32, #tpu.memory_space<vmem_shared>> -> memref<10240xf32, #tpu.memory_space<vmem_shared>>
        tpu.wait_indirect_dma semaphore(%arg11 : memref<!tpu.dma_semaphore, #tpu.memory_space<semaphore_mem>>) src(%dma_wait3A_316 : memref<128xf32, #tpu.memory_space<vmem>>) dst(%dma_wait3A_321 : memref<10240xf32, #tpu.memory_space<vmem_shared>>)
      }
      %scan3A_34 = arith.constant 10 : i32
    } else {
    }
    %eq3A_19 = arith.constant 15 : i32
    %eq3A_20 = arith.cmpi eq, %arg1, %eq3A_19 : i32
    %convert_element_type3A_21 = arith.extui %eq3A_20 : i1 to i32
    %cond3A_22 = arith.constant 0 : i32
    %cond3A_23 = arith.cmpi ne, %convert_element_type3A_21, %cond3A_22 : i32
    scf.if %cond3A_23 {
      %scan3A_29 = arith.constant 0 : i32
      %scan3A_30 = arith.constant 0 : i32
      %scan3A_31 = arith.constant 6 : i32
      %scan3A_32 = arith.addi %scan3A_30, %scan3A_31 : i32
      %scan3A_33 = arith.constant 1 : i32
      scf.for %scan3A_97 = %scan3A_30 to %scan3A_32 step %scan3A_33  : i32 {
        %mul3A_98 = arith.constant 16 : i32
        %mul3A_99 = arith.muli %scan3A_97, %mul3A_98 : i32
        %add3A_100 = arith.constant 0 : i32
        %add3A_101 = arith.addi %mul3A_99, %add3A_100 : i32
        %mul3A_102 = arith.constant 128 : i32
        %mul3A_103 = arith.muli %add3A_101, %mul3A_102 : i32
        %dma_start3A_104 = tpu.memref_slice %arg6[%mul3A_103] : memref<20480xf32, #tpu.memory_space<vmem>> -> memref<128xf32, #tpu.memory_space<vmem>>
        %dma_start3A_105 = arith.constant 0 : i32
        %dma_start3A_106 = tpu.memref_slice %arg7[%add3A_101, %dma_start3A_105] : memref<160x128xi32, #tpu.memory_space<vmem>> -> memref<1x128xi32, #tpu.memory_space<vmem>>
        %dma_start3A_107 = tpu.memref_squeeze %dma_start3A_106 : memref<1x128xi32, #tpu.memory_space<vmem>> -> memref<128xi32, #tpu.memory_space<vmem>>
        %dma_start3A_108 = arith.constant 0 : i32
        %dma_start3A_109 = tpu.memref_slice %arg10[%dma_start3A_108] : memref<10240xf32, #tpu.memory_space<vmem_shared>> -> memref<10240xf32, #tpu.memory_space<vmem_shared>>
        tpu.enqueue_indirect_dma source(%dma_start3A_104 : memref<128xf32, #tpu.memory_space<vmem>>) target(%dma_start3A_109 : memref<10240xf32, #tpu.memory_space<vmem_shared>>) offsets(%dma_start3A_107 : memref<128xi32, #tpu.memory_space<vmem>>) semaphore(%arg11 : memref<!tpu.dma_semaphore, #tpu.memory_space<semaphore_mem>>) {add = true}
        %mul3A_110 = arith.constant 16 : i32
        %mul3A_111 = arith.muli %scan3A_97, %mul3A_110 : i32
        %add3A_112 = arith.constant 1 : i32
        %add3A_113 = arith.addi %mul3A_111, %add3A_112 : i32
        %mul3A_114 = arith.constant 128 : i32
        %mul3A_115 = arith.muli %add3A_113, %mul3A_114 : i32
        %dma_start3A_116 = tpu.memref_slice %arg6[%mul3A_115] : memref<20480xf32, #tpu.memory_space<vmem>> -> memref<128xf32, #tpu.memory_space<vmem>>
        %dma_start3A_117 = arith.constant 0 : i32
        %dma_start3A_118 = tpu.memref_slice %arg7[%add3A_113, %dma_start3A_117] : memref<160x128xi32, #tpu.memory_space<vmem>> -> memref<1x128xi32, #tpu.memory_space<vmem>>
        %dma_start3A_119 = tpu.memref_squeeze %dma_start3A_118 : memref<1x128xi32, #tpu.memory_space<vmem>> -> memref<128xi32, #tpu.memory_space<vmem>>
        %dma_start3A_120 = arith.constant 0 : i32
        %dma_start3A_121 = tpu.memref_slice %arg10[%dma_start3A_120] : memref<10240xf32, #tpu.memory_space<vmem_shared>> -> memref<10240xf32, #tpu.memory_space<vmem_shared>>
        tpu.enqueue_indirect_dma source(%dma_start3A_116 : memref<128xf32, #tpu.memory_space<vmem>>) target(%dma_start3A_121 : memref<10240xf32, #tpu.memory_space<vmem_shared>>) offsets(%dma_start3A_119 : memref<128xi32, #tpu.memory_space<vmem>>) semaphore(%arg11 : memref<!tpu.dma_semaphore, #tpu.memory_space<semaphore_mem>>) {add = true}
        %mul3A_122 = arith.constant 16 : i32
        %mul3A_123 = arith.muli %scan3A_97, %mul3A_122 : i32
        %add3A_124 = arith.constant 2 : i32
        %add3A_125 = arith.addi %mul3A_123, %add3A_124 : i32
        %mul3A_126 = arith.constant 128 : i32
        %mul3A_127 = arith.muli %add3A_125, %mul3A_126 : i32
        %dma_start3A_128 = tpu.memref_slice %arg6[%mul3A_127] : memref<20480xf32, #tpu.memory_space<vmem>> -> memref<128xf32, #tpu.memory_space<vmem>>
        %dma_start3A_129 = arith.constant 0 : i32
        %dma_start3A_130 = tpu.memref_slice %arg7[%add3A_125, %dma_start3A_129] : memref<160x128xi32, #tpu.memory_space<vmem>> -> memref<1x128xi32, #tpu.memory_space<vmem>>
        %dma_start3A_131 = tpu.memref_squeeze %dma_start3A_130 : memref<1x128xi32, #tpu.memory_space<vmem>> -> memref<128xi32, #tpu.memory_space<vmem>>
        %dma_start3A_132 = arith.constant 0 : i32
        %dma_start3A_133 = tpu.memref_slice %arg10[%dma_start3A_132] : memref<10240xf32, #tpu.memory_space<vmem_shared>> -> memref<10240xf32, #tpu.memory_space<vmem_shared>>
        tpu.enqueue_indirect_dma source(%dma_start3A_128 : memref<128xf32, #tpu.memory_space<vmem>>) target(%dma_start3A_133 : memref<10240xf32, #tpu.memory_space<vmem_shared>>) offsets(%dma_start3A_131 : memref<128xi32, #tpu.memory_space<vmem>>) semaphore(%arg11 : memref<!tpu.dma_semaphore, #tpu.memory_space<semaphore_mem>>) {add = true}
        %mul3A_134 = arith.constant 16 : i32
        %mul3A_135 = arith.muli %scan3A_97, %mul3A_134 : i32
        %add3A_136 = arith.constant 3 : i32
        %add3A_137 = arith.addi %mul3A_135, %add3A_136 : i32
        %mul3A_138 = arith.constant 128 : i32
        %mul3A_139 = arith.muli %add3A_137, %mul3A_138 : i32
        %dma_start3A_140 = tpu.memref_slice %arg6[%mul3A_139] : memref<20480xf32, #tpu.memory_space<vmem>> -> memref<128xf32, #tpu.memory_space<vmem>>
        %dma_start3A_141 = arith.constant 0 : i32
        %dma_start3A_142 = tpu.memref_slice %arg7[%add3A_137, %dma_start3A_141] : memref<160x128xi32, #tpu.memory_space<vmem>> -> memref<1x128xi32, #tpu.memory_space<vmem>>
        %dma_start3A_143 = tpu.memref_squeeze %dma_start3A_142 : memref<1x128xi32, #tpu.memory_space<vmem>> -> memref<128xi32, #tpu.memory_space<vmem>>
        %dma_start3A_144 = arith.constant 0 : i32
        %dma_start3A_145 = tpu.memref_slice %arg10[%dma_start3A_144] : memref<10240xf32, #tpu.memory_space<vmem_shared>> -> memref<10240xf32, #tpu.memory_space<vmem_shared>>
        tpu.enqueue_indirect_dma source(%dma_start3A_140 : memref<128xf32, #tpu.memory_space<vmem>>) target(%dma_start3A_145 : memref<10240xf32, #tpu.memory_space<vmem_shared>>) offsets(%dma_start3A_143 : memref<128xi32, #tpu.memory_space<vmem>>) semaphore(%arg11 : memref<!tpu.dma_semaphore, #tpu.memory_space<semaphore_mem>>) {add = true}
        %mul3A_146 = arith.constant 16 : i32
        %mul3A_147 = arith.muli %scan3A_97, %mul3A_146 : i32
        %add3A_148 = arith.constant 4 : i32
        %add3A_149 = arith.addi %mul3A_147, %add3A_148 : i32
        %mul3A_150 = arith.constant 128 : i32
        %mul3A_151 = arith.muli %add3A_149, %mul3A_150 : i32
        %dma_start3A_152 = tpu.memref_slice %arg6[%mul3A_151] : memref<20480xf32, #tpu.memory_space<vmem>> -> memref<128xf32, #tpu.memory_space<vmem>>
        %dma_start3A_153 = arith.constant 0 : i32
        %dma_start3A_154 = tpu.memref_slice %arg7[%add3A_149, %dma_start3A_153] : memref<160x128xi32, #tpu.memory_space<vmem>> -> memref<1x128xi32, #tpu.memory_space<vmem>>
        %dma_start3A_155 = tpu.memref_squeeze %dma_start3A_154 : memref<1x128xi32, #tpu.memory_space<vmem>> -> memref<128xi32, #tpu.memory_space<vmem>>
        %dma_start3A_156 = arith.constant 0 : i32
        %dma_start3A_157 = tpu.memref_slice %arg10[%dma_start3A_156] : memref<10240xf32, #tpu.memory_space<vmem_shared>> -> memref<10240xf32, #tpu.memory_space<vmem_shared>>
        tpu.enqueue_indirect_dma source(%dma_start3A_152 : memref<128xf32, #tpu.memory_space<vmem>>) target(%dma_start3A_157 : memref<10240xf32, #tpu.memory_space<vmem_shared>>) offsets(%dma_start3A_155 : memref<128xi32, #tpu.memory_space<vmem>>) semaphore(%arg11 : memref<!tpu.dma_semaphore, #tpu.memory_space<semaphore_mem>>) {add = true}
        %mul3A_158 = arith.constant 16 : i32
        %mul3A_159 = arith.muli %scan3A_97, %mul3A_158 : i32
        %add3A_160 = arith.constant 5 : i32
        %add3A_161 = arith.addi %mul3A_159, %add3A_160 : i32
        %mul3A_162 = arith.constant 128 : i32
        %mul3A_163 = arith.muli %add3A_161, %mul3A_162 : i32
        %dma_start3A_164 = tpu.memref_slice %arg6[%mul3A_163] : memref<20480xf32, #tpu.memory_space<vmem>> -> memref<128xf32, #tpu.memory_space<vmem>>
        %dma_start3A_165 = arith.constant 0 : i32
        %dma_start3A_166 = tpu.memref_slice %arg7[%add3A_161, %dma_start3A_165] : memref<160x128xi32, #tpu.memory_space<vmem>> -> memref<1x128xi32, #tpu.memory_space<vmem>>
        %dma_start3A_167 = tpu.memref_squeeze %dma_start3A_166 : memref<1x128xi32, #tpu.memory_space<vmem>> -> memref<128xi32, #tpu.memory_space<vmem>>
        %dma_start3A_168 = arith.constant 0 : i32
        %dma_start3A_169 = tpu.memref_slice %arg10[%dma_start3A_168] : memref<10240xf32, #tpu.memory_space<vmem_shared>> -> memref<10240xf32, #tpu.memory_space<vmem_shared>>
        tpu.enqueue_indirect_dma source(%dma_start3A_164 : memref<128xf32, #tpu.memory_space<vmem>>) target(%dma_start3A_169 : memref<10240xf32, #tpu.memory_space<vmem_shared>>) offsets(%dma_start3A_167 : memref<128xi32, #tpu.memory_space<vmem>>) semaphore(%arg11 : memref<!tpu.dma_semaphore, #tpu.memory_space<semaphore_mem>>) {add = true}
        %mul3A_170 = arith.constant 16 : i32
        %mul3A_171 = arith.muli %scan3A_97, %mul3A_170 : i32
        %add3A_172 = arith.constant 6 : i32
        %add3A_173 = arith.addi %mul3A_171, %add3A_172 : i32
        %mul3A_174 = arith.constant 128 : i32
        %mul3A_175 = arith.muli %add3A_173, %mul3A_174 : i32
        %dma_start3A_176 = tpu.memref_slice %arg6[%mul3A_175] : memref<20480xf32, #tpu.memory_space<vmem>> -> memref<128xf32, #tpu.memory_space<vmem>>
        %dma_start3A_177 = arith.constant 0 : i32
        %dma_start3A_178 = tpu.memref_slice %arg7[%add3A_173, %dma_start3A_177] : memref<160x128xi32, #tpu.memory_space<vmem>> -> memref<1x128xi32, #tpu.memory_space<vmem>>
        %dma_start3A_179 = tpu.memref_squeeze %dma_start3A_178 : memref<1x128xi32, #tpu.memory_space<vmem>> -> memref<128xi32, #tpu.memory_space<vmem>>
        %dma_start3A_180 = arith.constant 0 : i32
        %dma_start3A_181 = tpu.memref_slice %arg10[%dma_start3A_180] : memref<10240xf32, #tpu.memory_space<vmem_shared>> -> memref<10240xf32, #tpu.memory_space<vmem_shared>>
        tpu.enqueue_indirect_dma source(%dma_start3A_176 : memref<128xf32, #tpu.memory_space<vmem>>) target(%dma_start3A_181 : memref<10240xf32, #tpu.memory_space<vmem_shared>>) offsets(%dma_start3A_179 : memref<128xi32, #tpu.memory_space<vmem>>) semaphore(%arg11 : memref<!tpu.dma_semaphore, #tpu.memory_space<semaphore_mem>>) {add = true}
        %mul3A_182 = arith.constant 16 : i32
        %mul3A_183 = arith.muli %scan3A_97, %mul3A_182 : i32
        %add3A_184 = arith.constant 7 : i32
        %add3A_185 = arith.addi %mul3A_183, %add3A_184 : i32
        %mul3A_186 = arith.constant 128 : i32
        %mul3A_187 = arith.muli %add3A_185, %mul3A_186 : i32
        %dma_start3A_188 = tpu.memref_slice %arg6[%mul3A_187] : memref<20480xf32, #tpu.memory_space<vmem>> -> memref<128xf32, #tpu.memory_space<vmem>>
        %dma_start3A_189 = arith.constant 0 : i32
        %dma_start3A_190 = tpu.memref_slice %arg7[%add3A_185, %dma_start3A_189] : memref<160x128xi32, #tpu.memory_space<vmem>> -> memref<1x128xi32, #tpu.memory_space<vmem>>
        %dma_start3A_191 = tpu.memref_squeeze %dma_start3A_190 : memref<1x128xi32, #tpu.memory_space<vmem>> -> memref<128xi32, #tpu.memory_space<vmem>>
        %dma_start3A_192 = arith.constant 0 : i32
        %dma_start3A_193 = tpu.memref_slice %arg10[%dma_start3A_192] : memref<10240xf32, #tpu.memory_space<vmem_shared>> -> memref<10240xf32, #tpu.memory_space<vmem_shared>>
        tpu.enqueue_indirect_dma source(%dma_start3A_188 : memref<128xf32, #tpu.memory_space<vmem>>) target(%dma_start3A_193 : memref<10240xf32, #tpu.memory_space<vmem_shared>>) offsets(%dma_start3A_191 : memref<128xi32, #tpu.memory_space<vmem>>) semaphore(%arg11 : memref<!tpu.dma_semaphore, #tpu.memory_space<semaphore_mem>>) {add = true}
        %mul3A_194 = arith.constant 16 : i32
        %mul3A_195 = arith.muli %scan3A_97, %mul3A_194 : i32
        %add3A_196 = arith.constant 8 : i32
        %add3A_197 = arith.addi %mul3A_195, %add3A_196 : i32
        %mul3A_198 = arith.constant 128 : i32
        %mul3A_199 = arith.muli %add3A_197, %mul3A_198 : i32
        %dma_start3A_200 = tpu.memref_slice %arg6[%mul3A_199] : memref<20480xf32, #tpu.memory_space<vmem>> -> memref<128xf32, #tpu.memory_space<vmem>>
        %dma_start3A_201 = arith.constant 0 : i32
        %dma_start3A_202 = tpu.memref_slice %arg7[%add3A_197, %dma_start3A_201] : memref<160x128xi32, #tpu.memory_space<vmem>> -> memref<1x128xi32, #tpu.memory_space<vmem>>
        %dma_start3A_203 = tpu.memref_squeeze %dma_start3A_202 : memref<1x128xi32, #tpu.memory_space<vmem>> -> memref<128xi32, #tpu.memory_space<vmem>>
        %dma_start3A_204 = arith.constant 0 : i32
        %dma_start3A_205 = tpu.memref_slice %arg10[%dma_start3A_204] : memref<10240xf32, #tpu.memory_space<vmem_shared>> -> memref<10240xf32, #tpu.memory_space<vmem_shared>>
        tpu.enqueue_indirect_dma source(%dma_start3A_200 : memref<128xf32, #tpu.memory_space<vmem>>) target(%dma_start3A_205 : memref<10240xf32, #tpu.memory_space<vmem_shared>>) offsets(%dma_start3A_203 : memref<128xi32, #tpu.memory_space<vmem>>) semaphore(%arg11 : memref<!tpu.dma_semaphore, #tpu.memory_space<semaphore_mem>>) {add = true}
        %mul3A_206 = arith.constant 16 : i32
        %mul3A_207 = arith.muli %scan3A_97, %mul3A_206 : i32
        %add3A_208 = arith.constant 9 : i32
        %add3A_209 = arith.addi %mul3A_207, %add3A_208 : i32
        %mul3A_210 = arith.constant 128 : i32
        %mul3A_211 = arith.muli %add3A_209, %mul3A_210 : i32
        %dma_start3A_212 = tpu.memref_slice %arg6[%mul3A_211] : memref<20480xf32, #tpu.memory_space<vmem>> -> memref<128xf32, #tpu.memory_space<vmem>>
        %dma_start3A_213 = arith.constant 0 : i32
        %dma_start3A_214 = tpu.memref_slice %arg7[%add3A_209, %dma_start3A_213] : memref<160x128xi32, #tpu.memory_space<vmem>> -> memref<1x128xi32, #tpu.memory_space<vmem>>
        %dma_start3A_215 = tpu.memref_squeeze %dma_start3A_214 : memref<1x128xi32, #tpu.memory_space<vmem>> -> memref<128xi32, #tpu.memory_space<vmem>>
        %dma_start3A_216 = arith.constant 0 : i32
        %dma_start3A_217 = tpu.memref_slice %arg10[%dma_start3A_216] : memref<10240xf32, #tpu.memory_space<vmem_shared>> -> memref<10240xf32, #tpu.memory_space<vmem_shared>>
        tpu.enqueue_indirect_dma source(%dma_start3A_212 : memref<128xf32, #tpu.memory_space<vmem>>) target(%dma_start3A_217 : memref<10240xf32, #tpu.memory_space<vmem_shared>>) offsets(%dma_start3A_215 : memref<128xi32, #tpu.memory_space<vmem>>) semaphore(%arg11 : memref<!tpu.dma_semaphore, #tpu.memory_space<semaphore_mem>>) {add = true}
        %mul3A_218 = arith.constant 16 : i32
        %mul3A_219 = arith.muli %scan3A_97, %mul3A_218 : i32
        %add3A_220 = arith.constant 10 : i32
        %add3A_221 = arith.addi %mul3A_219, %add3A_220 : i32
        %mul3A_222 = arith.constant 128 : i32
        %mul3A_223 = arith.muli %add3A_221, %mul3A_222 : i32
        %dma_start3A_224 = tpu.memref_slice %arg6[%mul3A_223] : memref<20480xf32, #tpu.memory_space<vmem>> -> memref<128xf32, #tpu.memory_space<vmem>>
        %dma_start3A_225 = arith.constant 0 : i32
        %dma_start3A_226 = tpu.memref_slice %arg7[%add3A_221, %dma_start3A_225] : memref<160x128xi32, #tpu.memory_space<vmem>> -> memref<1x128xi32, #tpu.memory_space<vmem>>
        %dma_start3A_227 = tpu.memref_squeeze %dma_start3A_226 : memref<1x128xi32, #tpu.memory_space<vmem>> -> memref<128xi32, #tpu.memory_space<vmem>>
        %dma_start3A_228 = arith.constant 0 : i32
        %dma_start3A_229 = tpu.memref_slice %arg10[%dma_start3A_228] : memref<10240xf32, #tpu.memory_space<vmem_shared>> -> memref<10240xf32, #tpu.memory_space<vmem_shared>>
        tpu.enqueue_indirect_dma source(%dma_start3A_224 : memref<128xf32, #tpu.memory_space<vmem>>) target(%dma_start3A_229 : memref<10240xf32, #tpu.memory_space<vmem_shared>>) offsets(%dma_start3A_227 : memref<128xi32, #tpu.memory_space<vmem>>) semaphore(%arg11 : memref<!tpu.dma_semaphore, #tpu.memory_space<semaphore_mem>>) {add = true}
        %mul3A_230 = arith.constant 16 : i32
        %mul3A_231 = arith.muli %scan3A_97, %mul3A_230 : i32
        %add3A_232 = arith.constant 11 : i32
        %add3A_233 = arith.addi %mul3A_231, %add3A_232 : i32
        %mul3A_234 = arith.constant 128 : i32
        %mul3A_235 = arith.muli %add3A_233, %mul3A_234 : i32
        %dma_start3A_236 = tpu.memref_slice %arg6[%mul3A_235] : memref<20480xf32, #tpu.memory_space<vmem>> -> memref<128xf32, #tpu.memory_space<vmem>>
        %dma_start3A_237 = arith.constant 0 : i32
        %dma_start3A_238 = tpu.memref_slice %arg7[%add3A_233, %dma_start3A_237] : memref<160x128xi32, #tpu.memory_space<vmem>> -> memref<1x128xi32, #tpu.memory_space<vmem>>
        %dma_start3A_239 = tpu.memref_squeeze %dma_start3A_238 : memref<1x128xi32, #tpu.memory_space<vmem>> -> memref<128xi32, #tpu.memory_space<vmem>>
        %dma_start3A_240 = arith.constant 0 : i32
        %dma_start3A_241 = tpu.memref_slice %arg10[%dma_start3A_240] : memref<10240xf32, #tpu.memory_space<vmem_shared>> -> memref<10240xf32, #tpu.memory_space<vmem_shared>>
        tpu.enqueue_indirect_dma source(%dma_start3A_236 : memref<128xf32, #tpu.memory_space<vmem>>) target(%dma_start3A_241 : memref<10240xf32, #tpu.memory_space<vmem_shared>>) offsets(%dma_start3A_239 : memref<128xi32, #tpu.memory_space<vmem>>) semaphore(%arg11 : memref<!tpu.dma_semaphore, #tpu.memory_space<semaphore_mem>>) {add = true}
        %mul3A_242 = arith.constant 16 : i32
        %mul3A_243 = arith.muli %scan3A_97, %mul3A_242 : i32
        %add3A_244 = arith.constant 12 : i32
        %add3A_245 = arith.addi %mul3A_243, %add3A_244 : i32
        %mul3A_246 = arith.constant 128 : i32
        %mul3A_247 = arith.muli %add3A_245, %mul3A_246 : i32
        %dma_start3A_248 = tpu.memref_slice %arg6[%mul3A_247] : memref<20480xf32, #tpu.memory_space<vmem>> -> memref<128xf32, #tpu.memory_space<vmem>>
        %dma_start3A_249 = arith.constant 0 : i32
        %dma_start3A_250 = tpu.memref_slice %arg7[%add3A_245, %dma_start3A_249] : memref<160x128xi32, #tpu.memory_space<vmem>> -> memref<1x128xi32, #tpu.memory_space<vmem>>
        %dma_start3A_251 = tpu.memref_squeeze %dma_start3A_250 : memref<1x128xi32, #tpu.memory_space<vmem>> -> memref<128xi32, #tpu.memory_space<vmem>>
        %dma_start3A_252 = arith.constant 0 : i32
        %dma_start3A_253 = tpu.memref_slice %arg10[%dma_start3A_252] : memref<10240xf32, #tpu.memory_space<vmem_shared>> -> memref<10240xf32, #tpu.memory_space<vmem_shared>>
        tpu.enqueue_indirect_dma source(%dma_start3A_248 : memref<128xf32, #tpu.memory_space<vmem>>) target(%dma_start3A_253 : memref<10240xf32, #tpu.memory_space<vmem_shared>>) offsets(%dma_start3A_251 : memref<128xi32, #tpu.memory_space<vmem>>) semaphore(%arg11 : memref<!tpu.dma_semaphore, #tpu.memory_space<semaphore_mem>>) {add = true}
        %mul3A_254 = arith.constant 16 : i32
        %mul3A_255 = arith.muli %scan3A_97, %mul3A_254 : i32
        %add3A_256 = arith.constant 13 : i32
        %add3A_257 = arith.addi %mul3A_255, %add3A_256 : i32
        %mul3A_258 = arith.constant 128 : i32
        %mul3A_259 = arith.muli %add3A_257, %mul3A_258 : i32
        %dma_start3A_260 = tpu.memref_slice %arg6[%mul3A_259] : memref<20480xf32, #tpu.memory_space<vmem>> -> memref<128xf32, #tpu.memory_space<vmem>>
        %dma_start3A_261 = arith.constant 0 : i32
        %dma_start3A_262 = tpu.memref_slice %arg7[%add3A_257, %dma_start3A_261] : memref<160x128xi32, #tpu.memory_space<vmem>> -> memref<1x128xi32, #tpu.memory_space<vmem>>
        %dma_start3A_263 = tpu.memref_squeeze %dma_start3A_262 : memref<1x128xi32, #tpu.memory_space<vmem>> -> memref<128xi32, #tpu.memory_space<vmem>>
        %dma_start3A_264 = arith.constant 0 : i32
        %dma_start3A_265 = tpu.memref_slice %arg10[%dma_start3A_264] : memref<10240xf32, #tpu.memory_space<vmem_shared>> -> memref<10240xf32, #tpu.memory_space<vmem_shared>>
        tpu.enqueue_indirect_dma source(%dma_start3A_260 : memref<128xf32, #tpu.memory_space<vmem>>) target(%dma_start3A_265 : memref<10240xf32, #tpu.memory_space<vmem_shared>>) offsets(%dma_start3A_263 : memref<128xi32, #tpu.memory_space<vmem>>) semaphore(%arg11 : memref<!tpu.dma_semaphore, #tpu.memory_space<semaphore_mem>>) {add = true}
        %mul3A_266 = arith.constant 16 : i32
        %mul3A_267 = arith.muli %scan3A_97, %mul3A_266 : i32
        %add3A_268 = arith.constant 14 : i32
        %add3A_269 = arith.addi %mul3A_267, %add3A_268 : i32
        %mul3A_270 = arith.constant 128 : i32
        %mul3A_271 = arith.muli %add3A_269, %mul3A_270 : i32
        %dma_start3A_272 = tpu.memref_slice %arg6[%mul3A_271] : memref<20480xf32, #tpu.memory_space<vmem>> -> memref<128xf32, #tpu.memory_space<vmem>>
        %dma_start3A_273 = arith.constant 0 : i32
        %dma_start3A_274 = tpu.memref_slice %arg7[%add3A_269, %dma_start3A_273] : memref<160x128xi32, #tpu.memory_space<vmem>> -> memref<1x128xi32, #tpu.memory_space<vmem>>
        %dma_start3A_275 = tpu.memref_squeeze %dma_start3A_274 : memref<1x128xi32, #tpu.memory_space<vmem>> -> memref<128xi32, #tpu.memory_space<vmem>>
        %dma_start3A_276 = arith.constant 0 : i32
        %dma_start3A_277 = tpu.memref_slice %arg10[%dma_start3A_276] : memref<10240xf32, #tpu.memory_space<vmem_shared>> -> memref<10240xf32, #tpu.memory_space<vmem_shared>>
        tpu.enqueue_indirect_dma source(%dma_start3A_272 : memref<128xf32, #tpu.memory_space<vmem>>) target(%dma_start3A_277 : memref<10240xf32, #tpu.memory_space<vmem_shared>>) offsets(%dma_start3A_275 : memref<128xi32, #tpu.memory_space<vmem>>) semaphore(%arg11 : memref<!tpu.dma_semaphore, #tpu.memory_space<semaphore_mem>>) {add = true}
        %mul3A_278 = arith.constant 16 : i32
        %mul3A_279 = arith.muli %scan3A_97, %mul3A_278 : i32
        %add3A_280 = arith.constant 15 : i32
        %add3A_281 = arith.addi %mul3A_279, %add3A_280 : i32
        %mul3A_282 = arith.constant 128 : i32
        %mul3A_283 = arith.muli %add3A_281, %mul3A_282 : i32
        %dma_start3A_284 = tpu.memref_slice %arg6[%mul3A_283] : memref<20480xf32, #tpu.memory_space<vmem>> -> memref<128xf32, #tpu.memory_space<vmem>>
        %dma_start3A_285 = arith.constant 0 : i32
        %dma_start3A_286 = tpu.memref_slice %arg7[%add3A_281, %dma_start3A_285] : memref<160x128xi32, #tpu.memory_space<vmem>> -> memref<1x128xi32, #tpu.memory_space<vmem>>
        %dma_start3A_287 = tpu.memref_squeeze %dma_start3A_286 : memref<1x128xi32, #tpu.memory_space<vmem>> -> memref<128xi32, #tpu.memory_space<vmem>>
        %dma_start3A_288 = arith.constant 0 : i32
        %dma_start3A_289 = tpu.memref_slice %arg10[%dma_start3A_288] : memref<10240xf32, #tpu.memory_space<vmem_shared>> -> memref<10240xf32, #tpu.memory_space<vmem_shared>>
        tpu.enqueue_indirect_dma source(%dma_start3A_284 : memref<128xf32, #tpu.memory_space<vmem>>) target(%dma_start3A_289 : memref<10240xf32, #tpu.memory_space<vmem_shared>>) offsets(%dma_start3A_287 : memref<128xi32, #tpu.memory_space<vmem>>) semaphore(%arg11 : memref<!tpu.dma_semaphore, #tpu.memory_space<semaphore_mem>>) {add = true}
        %dma_wait3A_290 = tpu.memref_slice %arg6[%mul3A_103] : memref<20480xf32, #tpu.memory_space<vmem>> -> memref<128xf32, #tpu.memory_space<vmem>>
        %dma_wait3A_291 = arith.constant 0 : i32
        %dma_wait3A_292 = tpu.memref_slice %arg7[%add3A_101, %dma_wait3A_291] : memref<160x128xi32, #tpu.memory_space<vmem>> -> memref<1x128xi32, #tpu.memory_space<vmem>>
        %dma_wait3A_293 = tpu.memref_squeeze %dma_wait3A_292 : memref<1x128xi32, #tpu.memory_space<vmem>> -> memref<128xi32, #tpu.memory_space<vmem>>
        %dma_wait3A_294 = arith.constant 0 : i32
        %dma_wait3A_295 = tpu.memref_slice %arg10[%dma_wait3A_294] : memref<10240xf32, #tpu.memory_space<vmem_shared>> -> memref<10240xf32, #tpu.memory_space<vmem_shared>>
        tpu.wait_indirect_dma semaphore(%arg11 : memref<!tpu.dma_semaphore, #tpu.memory_space<semaphore_mem>>) src(%dma_wait3A_290 : memref<128xf32, #tpu.memory_space<vmem>>) dst(%dma_wait3A_295 : memref<10240xf32, #tpu.memory_space<vmem_shared>>)
        %dma_wait3A_296 = tpu.memref_slice %arg6[%mul3A_115] : memref<20480xf32, #tpu.memory_space<vmem>> -> memref<128xf32, #tpu.memory_space<vmem>>
        %dma_wait3A_297 = arith.constant 0 : i32
        %dma_wait3A_298 = tpu.memref_slice %arg7[%add3A_113, %dma_wait3A_297] : memref<160x128xi32, #tpu.memory_space<vmem>> -> memref<1x128xi32, #tpu.memory_space<vmem>>
        %dma_wait3A_299 = tpu.memref_squeeze %dma_wait3A_298 : memref<1x128xi32, #tpu.memory_space<vmem>> -> memref<128xi32, #tpu.memory_space<vmem>>
        %dma_wait3A_300 = arith.constant 0 : i32
        %dma_wait3A_301 = tpu.memref_slice %arg10[%dma_wait3A_300] : memref<10240xf32, #tpu.memory_space<vmem_shared>> -> memref<10240xf32, #tpu.memory_space<vmem_shared>>
        tpu.wait_indirect_dma semaphore(%arg11 : memref<!tpu.dma_semaphore, #tpu.memory_space<semaphore_mem>>) src(%dma_wait3A_296 : memref<128xf32, #tpu.memory_space<vmem>>) dst(%dma_wait3A_301 : memref<10240xf32, #tpu.memory_space<vmem_shared>>)
        %dma_wait3A_302 = tpu.memref_slice %arg6[%mul3A_127] : memref<20480xf32, #tpu.memory_space<vmem>> -> memref<128xf32, #tpu.memory_space<vmem>>
        %dma_wait3A_303 = arith.constant 0 : i32
        %dma_wait3A_304 = tpu.memref_slice %arg7[%add3A_125, %dma_wait3A_303] : memref<160x128xi32, #tpu.memory_space<vmem>> -> memref<1x128xi32, #tpu.memory_space<vmem>>
        %dma_wait3A_305 = tpu.memref_squeeze %dma_wait3A_304 : memref<1x128xi32, #tpu.memory_space<vmem>> -> memref<128xi32, #tpu.memory_space<vmem>>
        %dma_wait3A_306 = arith.constant 0 : i32
        %dma_wait3A_307 = tpu.memref_slice %arg10[%dma_wait3A_306] : memref<10240xf32, #tpu.memory_space<vmem_shared>> -> memref<10240xf32, #tpu.memory_space<vmem_shared>>
        tpu.wait_indirect_dma semaphore(%arg11 : memref<!tpu.dma_semaphore, #tpu.memory_space<semaphore_mem>>) src(%dma_wait3A_302 : memref<128xf32, #tpu.memory_space<vmem>>) dst(%dma_wait3A_307 : memref<10240xf32, #tpu.memory_space<vmem_shared>>)
        %dma_wait3A_308 = tpu.memref_slice %arg6[%mul3A_139] : memref<20480xf32, #tpu.memory_space<vmem>> -> memref<128xf32, #tpu.memory_space<vmem>>
        %dma_wait3A_309 = arith.constant 0 : i32
        %dma_wait3A_310 = tpu.memref_slice %arg7[%add3A_137, %dma_wait3A_309] : memref<160x128xi32, #tpu.memory_space<vmem>> -> memref<1x128xi32, #tpu.memory_space<vmem>>
        %dma_wait3A_311 = tpu.memref_squeeze %dma_wait3A_310 : memref<1x128xi32, #tpu.memory_space<vmem>> -> memref<128xi32, #tpu.memory_space<vmem>>
        %dma_wait3A_312 = arith.constant 0 : i32
        %dma_wait3A_313 = tpu.memref_slice %arg10[%dma_wait3A_312] : memref<10240xf32, #tpu.memory_space<vmem_shared>> -> memref<10240xf32, #tpu.memory_space<vmem_shared>>
        tpu.wait_indirect_dma semaphore(%arg11 : memref<!tpu.dma_semaphore, #tpu.memory_space<semaphore_mem>>) src(%dma_wait3A_308 : memref<128xf32, #tpu.memory_space<vmem>>) dst(%dma_wait3A_313 : memref<10240xf32, #tpu.memory_space<vmem_shared>>)
        %dma_wait3A_314 = tpu.memref_slice %arg6[%mul3A_151] : memref<20480xf32, #tpu.memory_space<vmem>> -> memref<128xf32, #tpu.memory_space<vmem>>
        %dma_wait3A_315 = arith.constant 0 : i32
        %dma_wait3A_316 = tpu.memref_slice %arg7[%add3A_149, %dma_wait3A_315] : memref<160x128xi32, #tpu.memory_space<vmem>> -> memref<1x128xi32, #tpu.memory_space<vmem>>
        %dma_wait3A_317 = tpu.memref_squeeze %dma_wait3A_316 : memref<1x128xi32, #tpu.memory_space<vmem>> -> memref<128xi32, #tpu.memory_space<vmem>>
        %dma_wait3A_318 = arith.constant 0 : i32
        %dma_wait3A_319 = tpu.memref_slice %arg10[%dma_wait3A_318] : memref<10240xf32, #tpu.memory_space<vmem_shared>> -> memref<10240xf32, #tpu.memory_space<vmem_shared>>
        tpu.wait_indirect_dma semaphore(%arg11 : memref<!tpu.dma_semaphore, #tpu.memory_space<semaphore_mem>>) src(%dma_wait3A_314 : memref<128xf32, #tpu.memory_space<vmem>>) dst(%dma_wait3A_319 : memref<10240xf32, #tpu.memory_space<vmem_shared>>)
        %dma_wait3A_320 = tpu.memref_slice %arg6[%mul3A_163] : memref<20480xf32, #tpu.memory_space<vmem>> -> memref<128xf32, #tpu.memory_space<vmem>>
        %dma_wait3A_321 = arith.constant 0 : i32
        %dma_wait3A_322 = tpu.memref_slice %arg7[%add3A_161, %dma_wait3A_321] : memref<160x128xi32, #tpu.memory_space<vmem>> -> memref<1x128xi32, #tpu.memory_space<vmem>>
        %dma_wait3A_323 = tpu.memref_squeeze %dma_wait3A_322 : memref<1x128xi32, #tpu.memory_space<vmem>> -> memref<128xi32, #tpu.memory_space<vmem>>
        %dma_wait3A_324 = arith.constant 0 : i32
        %dma_wait3A_325 = tpu.memref_slice %arg10[%dma_wait3A_324] : memref<10240xf32, #tpu.memory_space<vmem_shared>> -> memref<10240xf32, #tpu.memory_space<vmem_shared>>
        tpu.wait_indirect_dma semaphore(%arg11 : memref<!tpu.dma_semaphore, #tpu.memory_space<semaphore_mem>>) src(%dma_wait3A_320 : memref<128xf32, #tpu.memory_space<vmem>>) dst(%dma_wait3A_325 : memref<10240xf32, #tpu.memory_space<vmem_shared>>)
        %dma_wait3A_326 = tpu.memref_slice %arg6[%mul3A_175] : memref<20480xf32, #tpu.memory_space<vmem>> -> memref<128xf32, #tpu.memory_space<vmem>>
        %dma_wait3A_327 = arith.constant 0 : i32
        %dma_wait3A_328 = tpu.memref_slice %arg7[%add3A_173, %dma_wait3A_327] : memref<160x128xi32, #tpu.memory_space<vmem>> -> memref<1x128xi32, #tpu.memory_space<vmem>>
        %dma_wait3A_329 = tpu.memref_squeeze %dma_wait3A_328 : memref<1x128xi32, #tpu.memory_space<vmem>> -> memref<128xi32, #tpu.memory_space<vmem>>
        %dma_wait3A_330 = arith.constant 0 : i32
        %dma_wait3A_331 = tpu.memref_slice %arg10[%dma_wait3A_330] : memref<10240xf32, #tpu.memory_space<vmem_shared>> -> memref<10240xf32, #tpu.memory_space<vmem_shared>>
        tpu.wait_indirect_dma semaphore(%arg11 : memref<!tpu.dma_semaphore, #tpu.memory_space<semaphore_mem>>) src(%dma_wait3A_326 : memref<128xf32, #tpu.memory_space<vmem>>) dst(%dma_wait3A_331 : memref<10240xf32, #tpu.memory_space<vmem_shared>>)
        %dma_wait3A_332 = tpu.memref_slice %arg6[%mul3A_187] : memref<20480xf32, #tpu.memory_space<vmem>> -> memref<128xf32, #tpu.memory_space<vmem>>
        %dma_wait3A_333 = arith.constant 0 : i32
        %dma_wait3A_334 = tpu.memref_slice %arg7[%add3A_185, %dma_wait3A_333] : memref<160x128xi32, #tpu.memory_space<vmem>> -> memref<1x128xi32, #tpu.memory_space<vmem>>
        %dma_wait3A_335 = tpu.memref_squeeze %dma_wait3A_334 : memref<1x128xi32, #tpu.memory_space<vmem>> -> memref<128xi32, #tpu.memory_space<vmem>>
        %dma_wait3A_336 = arith.constant 0 : i32
        %dma_wait3A_337 = tpu.memref_slice %arg10[%dma_wait3A_336] : memref<10240xf32, #tpu.memory_space<vmem_shared>> -> memref<10240xf32, #tpu.memory_space<vmem_shared>>
        tpu.wait_indirect_dma semaphore(%arg11 : memref<!tpu.dma_semaphore, #tpu.memory_space<semaphore_mem>>) src(%dma_wait3A_332 : memref<128xf32, #tpu.memory_space<vmem>>) dst(%dma_wait3A_337 : memref<10240xf32, #tpu.memory_space<vmem_shared>>)
        %dma_wait3A_338 = tpu.memref_slice %arg6[%mul3A_199] : memref<20480xf32, #tpu.memory_space<vmem>> -> memref<128xf32, #tpu.memory_space<vmem>>
        %dma_wait3A_339 = arith.constant 0 : i32
        %dma_wait3A_340 = tpu.memref_slice %arg7[%add3A_197, %dma_wait3A_339] : memref<160x128xi32, #tpu.memory_space<vmem>> -> memref<1x128xi32, #tpu.memory_space<vmem>>
        %dma_wait3A_341 = tpu.memref_squeeze %dma_wait3A_340 : memref<1x128xi32, #tpu.memory_space<vmem>> -> memref<128xi32, #tpu.memory_space<vmem>>
        %dma_wait3A_342 = arith.constant 0 : i32
        %dma_wait3A_343 = tpu.memref_slice %arg10[%dma_wait3A_342] : memref<10240xf32, #tpu.memory_space<vmem_shared>> -> memref<10240xf32, #tpu.memory_space<vmem_shared>>
        tpu.wait_indirect_dma semaphore(%arg11 : memref<!tpu.dma_semaphore, #tpu.memory_space<semaphore_mem>>) src(%dma_wait3A_338 : memref<128xf32, #tpu.memory_space<vmem>>) dst(%dma_wait3A_343 : memref<10240xf32, #tpu.memory_space<vmem_shared>>)
        %dma_wait3A_344 = tpu.memref_slice %arg6[%mul3A_211] : memref<20480xf32, #tpu.memory_space<vmem>> -> memref<128xf32, #tpu.memory_space<vmem>>
        %dma_wait3A_345 = arith.constant 0 : i32
        %dma_wait3A_346 = tpu.memref_slice %arg7[%add3A_209, %dma_wait3A_345] : memref<160x128xi32, #tpu.memory_space<vmem>> -> memref<1x128xi32, #tpu.memory_space<vmem>>
        %dma_wait3A_347 = tpu.memref_squeeze %dma_wait3A_346 : memref<1x128xi32, #tpu.memory_space<vmem>> -> memref<128xi32, #tpu.memory_space<vmem>>
        %dma_wait3A_348 = arith.constant 0 : i32
        %dma_wait3A_349 = tpu.memref_slice %arg10[%dma_wait3A_348] : memref<10240xf32, #tpu.memory_space<vmem_shared>> -> memref<10240xf32, #tpu.memory_space<vmem_shared>>
        tpu.wait_indirect_dma semaphore(%arg11 : memref<!tpu.dma_semaphore, #tpu.memory_space<semaphore_mem>>) src(%dma_wait3A_344 : memref<128xf32, #tpu.memory_space<vmem>>) dst(%dma_wait3A_349 : memref<10240xf32, #tpu.memory_space<vmem_shared>>)
        %dma_wait3A_350 = tpu.memref_slice %arg6[%mul3A_223] : memref<20480xf32, #tpu.memory_space<vmem>> -> memref<128xf32, #tpu.memory_space<vmem>>
        %dma_wait3A_351 = arith.constant 0 : i32
        %dma_wait3A_352 = tpu.memref_slice %arg7[%add3A_221, %dma_wait3A_351] : memref<160x128xi32, #tpu.memory_space<vmem>> -> memref<1x128xi32, #tpu.memory_space<vmem>>
        %dma_wait3A_353 = tpu.memref_squeeze %dma_wait3A_352 : memref<1x128xi32, #tpu.memory_space<vmem>> -> memref<128xi32, #tpu.memory_space<vmem>>
        %dma_wait3A_354 = arith.constant 0 : i32
        %dma_wait3A_355 = tpu.memref_slice %arg10[%dma_wait3A_354] : memref<10240xf32, #tpu.memory_space<vmem_shared>> -> memref<10240xf32, #tpu.memory_space<vmem_shared>>
        tpu.wait_indirect_dma semaphore(%arg11 : memref<!tpu.dma_semaphore, #tpu.memory_space<semaphore_mem>>) src(%dma_wait3A_350 : memref<128xf32, #tpu.memory_space<vmem>>) dst(%dma_wait3A_355 : memref<10240xf32, #tpu.memory_space<vmem_shared>>)
        %dma_wait3A_356 = tpu.memref_slice %arg6[%mul3A_235] : memref<20480xf32, #tpu.memory_space<vmem>> -> memref<128xf32, #tpu.memory_space<vmem>>
        %dma_wait3A_357 = arith.constant 0 : i32
        %dma_wait3A_358 = tpu.memref_slice %arg7[%add3A_233, %dma_wait3A_357] : memref<160x128xi32, #tpu.memory_space<vmem>> -> memref<1x128xi32, #tpu.memory_space<vmem>>
        %dma_wait3A_359 = tpu.memref_squeeze %dma_wait3A_358 : memref<1x128xi32, #tpu.memory_space<vmem>> -> memref<128xi32, #tpu.memory_space<vmem>>
        %dma_wait3A_360 = arith.constant 0 : i32
        %dma_wait3A_361 = tpu.memref_slice %arg10[%dma_wait3A_360] : memref<10240xf32, #tpu.memory_space<vmem_shared>> -> memref<10240xf32, #tpu.memory_space<vmem_shared>>
        tpu.wait_indirect_dma semaphore(%arg11 : memref<!tpu.dma_semaphore, #tpu.memory_space<semaphore_mem>>) src(%dma_wait3A_356 : memref<128xf32, #tpu.memory_space<vmem>>) dst(%dma_wait3A_361 : memref<10240xf32, #tpu.memory_space<vmem_shared>>)
        %dma_wait3A_362 = tpu.memref_slice %arg6[%mul3A_247] : memref<20480xf32, #tpu.memory_space<vmem>> -> memref<128xf32, #tpu.memory_space<vmem>>
        %dma_wait3A_363 = arith.constant 0 : i32
        %dma_wait3A_364 = tpu.memref_slice %arg7[%add3A_245, %dma_wait3A_363] : memref<160x128xi32, #tpu.memory_space<vmem>> -> memref<1x128xi32, #tpu.memory_space<vmem>>
        %dma_wait3A_365 = tpu.memref_squeeze %dma_wait3A_364 : memref<1x128xi32, #tpu.memory_space<vmem>> -> memref<128xi32, #tpu.memory_space<vmem>>
        %dma_wait3A_366 = arith.constant 0 : i32
        %dma_wait3A_367 = tpu.memref_slice %arg10[%dma_wait3A_366] : memref<10240xf32, #tpu.memory_space<vmem_shared>> -> memref<10240xf32, #tpu.memory_space<vmem_shared>>
        tpu.wait_indirect_dma semaphore(%arg11 : memref<!tpu.dma_semaphore, #tpu.memory_space<semaphore_mem>>) src(%dma_wait3A_362 : memref<128xf32, #tpu.memory_space<vmem>>) dst(%dma_wait3A_367 : memref<10240xf32, #tpu.memory_space<vmem_shared>>)
        %dma_wait3A_368 = tpu.memref_slice %arg6[%mul3A_259] : memref<20480xf32, #tpu.memory_space<vmem>> -> memref<128xf32, #tpu.memory_space<vmem>>
        %dma_wait3A_369 = arith.constant 0 : i32
        %dma_wait3A_370 = tpu.memref_slice %arg7[%add3A_257, %dma_wait3A_369] : memref<160x128xi32, #tpu.memory_space<vmem>> -> memref<1x128xi32, #tpu.memory_space<vmem>>
        %dma_wait3A_371 = tpu.memref_squeeze %dma_wait3A_370 : memref<1x128xi32, #tpu.memory_space<vmem>> -> memref<128xi32, #tpu.memory_space<vmem>>
        %dma_wait3A_372 = arith.constant 0 : i32
        %dma_wait3A_373 = tpu.memref_slice %arg10[%dma_wait3A_372] : memref<10240xf32, #tpu.memory_space<vmem_shared>> -> memref<10240xf32, #tpu.memory_space<vmem_shared>>
        tpu.wait_indirect_dma semaphore(%arg11 : memref<!tpu.dma_semaphore, #tpu.memory_space<semaphore_mem>>) src(%dma_wait3A_368 : memref<128xf32, #tpu.memory_space<vmem>>) dst(%dma_wait3A_373 : memref<10240xf32, #tpu.memory_space<vmem_shared>>)
        %dma_wait3A_374 = tpu.memref_slice %arg6[%mul3A_271] : memref<20480xf32, #tpu.memory_space<vmem>> -> memref<128xf32, #tpu.memory_space<vmem>>
        %dma_wait3A_375 = arith.constant 0 : i32
        %dma_wait3A_376 = tpu.memref_slice %arg7[%add3A_269, %dma_wait3A_375] : memref<160x128xi32, #tpu.memory_space<vmem>> -> memref<1x128xi32, #tpu.memory_space<vmem>>
        %dma_wait3A_377 = tpu.memref_squeeze %dma_wait3A_376 : memref<1x128xi32, #tpu.memory_space<vmem>> -> memref<128xi32, #tpu.memory_space<vmem>>
        %dma_wait3A_378 = arith.constant 0 : i32
        %dma_wait3A_379 = tpu.memref_slice %arg10[%dma_wait3A_378] : memref<10240xf32, #tpu.memory_space<vmem_shared>> -> memref<10240xf32, #tpu.memory_space<vmem_shared>>
        tpu.wait_indirect_dma semaphore(%arg11 : memref<!tpu.dma_semaphore, #tpu.memory_space<semaphore_mem>>) src(%dma_wait3A_374 : memref<128xf32, #tpu.memory_space<vmem>>) dst(%dma_wait3A_379 : memref<10240xf32, #tpu.memory_space<vmem_shared>>)
        %dma_wait3A_380 = tpu.memref_slice %arg6[%mul3A_283] : memref<20480xf32, #tpu.memory_space<vmem>> -> memref<128xf32, #tpu.memory_space<vmem>>
        %dma_wait3A_381 = arith.constant 0 : i32
        %dma_wait3A_382 = tpu.memref_slice %arg7[%add3A_281, %dma_wait3A_381] : memref<160x128xi32, #tpu.memory_space<vmem>> -> memref<1x128xi32, #tpu.memory_space<vmem>>
        %dma_wait3A_383 = tpu.memref_squeeze %dma_wait3A_382 : memref<1x128xi32, #tpu.memory_space<vmem>> -> memref<128xi32, #tpu.memory_space<vmem>>
        %dma_wait3A_384 = arith.constant 0 : i32
        %dma_wait3A_385 = tpu.memref_slice %arg10[%dma_wait3A_384] : memref<10240xf32, #tpu.memory_space<vmem_shared>> -> memref<10240xf32, #tpu.memory_space<vmem_shared>>
        tpu.wait_indirect_dma semaphore(%arg11 : memref<!tpu.dma_semaphore, #tpu.memory_space<semaphore_mem>>) src(%dma_wait3A_380 : memref<128xf32, #tpu.memory_space<vmem>>) dst(%dma_wait3A_385 : memref<10240xf32, #tpu.memory_space<vmem_shared>>)
      }
      %scan3A_34 = arith.constant 6 : i32
      %dma_start3A = arith.constant 0 : i32
      %dma_start3A_35 = arith.constant 12288 : i32
      %dma_start3A_36 = tpu.memref_slice %arg6[%dma_start3A_35] : memref<20480xf32, #tpu.memory_space<vmem>> -> memref<128xf32, #tpu.memory_space<vmem>>
      %dma_start3A_37 = arith.constant 0 : i32
      %dma_start3A_38 = tpu.memref_slice %arg8[%dma_start3A, %dma_start3A_37] : memref<4x128xi32, #tpu.memory_space<vmem>> -> memref<1x128xi32, #tpu.memory_space<vmem>>
      %dma_start3A_39 = tpu.memref_squeeze %dma_start3A_38 : memref<1x128xi32, #tpu.memory_space<vmem>> -> memref<128xi32, #tpu.memory_space<vmem>>
      %dma_start3A_40 = arith.constant 0 : i32
      %dma_start3A_41 = tpu.memref_slice %arg10[%dma_start3A_40] : memref<10240xf32, #tpu.memory_space<vmem_shared>> -> memref<10240xf32, #tpu.memory_space<vmem_shared>>
      tpu.enqueue_indirect_dma source(%dma_start3A_36 : memref<128xf32, #tpu.memory_space<vmem>>) target(%dma_start3A_41 : memref<10240xf32, #tpu.memory_space<vmem_shared>>) offsets(%dma_start3A_39 : memref<128xi32, #tpu.memory_space<vmem>>) semaphore(%arg11 : memref<!tpu.dma_semaphore, #tpu.memory_space<semaphore_mem>>) {add = true}
      %dma_start3A_42 = arith.constant 1 : i32
      %dma_start3A_43 = arith.constant 12416 : i32
      %dma_start3A_44 = tpu.memref_slice %arg6[%dma_start3A_43] : memref<20480xf32, #tpu.memory_space<vmem>> -> memref<128xf32, #tpu.memory_space<vmem>>
      %dma_start3A_45 = arith.constant 0 : i32
      %dma_start3A_46 = tpu.memref_slice %arg8[%dma_start3A_42, %dma_start3A_45] : memref<4x128xi32, #tpu.memory_space<vmem>> -> memref<1x128xi32, #tpu.memory_space<vmem>>
      %dma_start3A_47 = tpu.memref_squeeze %dma_start3A_46 : memref<1x128xi32, #tpu.memory_space<vmem>> -> memref<128xi32, #tpu.memory_space<vmem>>
      %dma_start3A_48 = arith.constant 0 : i32
      %dma_start3A_49 = tpu.memref_slice %arg10[%dma_start3A_48] : memref<10240xf32, #tpu.memory_space<vmem_shared>> -> memref<10240xf32, #tpu.memory_space<vmem_shared>>
      tpu.enqueue_indirect_dma source(%dma_start3A_44 : memref<128xf32, #tpu.memory_space<vmem>>) target(%dma_start3A_49 : memref<10240xf32, #tpu.memory_space<vmem_shared>>) offsets(%dma_start3A_47 : memref<128xi32, #tpu.memory_space<vmem>>) semaphore(%arg11 : memref<!tpu.dma_semaphore, #tpu.memory_space<semaphore_mem>>) {add = true}
      %dma_start3A_50 = arith.constant 2 : i32
      %dma_start3A_51 = arith.constant 12544 : i32
      %dma_start3A_52 = tpu.memref_slice %arg6[%dma_start3A_51] : memref<20480xf32, #tpu.memory_space<vmem>> -> memref<128xf32, #tpu.memory_space<vmem>>
      %dma_start3A_53 = arith.constant 0 : i32
      %dma_start3A_54 = tpu.memref_slice %arg8[%dma_start3A_50, %dma_start3A_53] : memref<4x128xi32, #tpu.memory_space<vmem>> -> memref<1x128xi32, #tpu.memory_space<vmem>>
      %dma_start3A_55 = tpu.memref_squeeze %dma_start3A_54 : memref<1x128xi32, #tpu.memory_space<vmem>> -> memref<128xi32, #tpu.memory_space<vmem>>
      %dma_start3A_56 = arith.constant 0 : i32
      %dma_start3A_57 = tpu.memref_slice %arg10[%dma_start3A_56] : memref<10240xf32, #tpu.memory_space<vmem_shared>> -> memref<10240xf32, #tpu.memory_space<vmem_shared>>
      tpu.enqueue_indirect_dma source(%dma_start3A_52 : memref<128xf32, #tpu.memory_space<vmem>>) target(%dma_start3A_57 : memref<10240xf32, #tpu.memory_space<vmem_shared>>) offsets(%dma_start3A_55 : memref<128xi32, #tpu.memory_space<vmem>>) semaphore(%arg11 : memref<!tpu.dma_semaphore, #tpu.memory_space<semaphore_mem>>) {add = true}
      %dma_start3A_58 = arith.constant 3 : i32
      %dma_start3A_59 = arith.constant 12672 : i32
      %dma_start3A_60 = tpu.memref_slice %arg6[%dma_start3A_59] : memref<20480xf32, #tpu.memory_space<vmem>> -> memref<128xf32, #tpu.memory_space<vmem>>
      %dma_start3A_61 = arith.constant 0 : i32
      %dma_start3A_62 = tpu.memref_slice %arg8[%dma_start3A_58, %dma_start3A_61] : memref<4x128xi32, #tpu.memory_space<vmem>> -> memref<1x128xi32, #tpu.memory_space<vmem>>
      %dma_start3A_63 = tpu.memref_squeeze %dma_start3A_62 : memref<1x128xi32, #tpu.memory_space<vmem>> -> memref<128xi32, #tpu.memory_space<vmem>>
      %dma_start3A_64 = arith.constant 0 : i32
      %dma_start3A_65 = tpu.memref_slice %arg10[%dma_start3A_64] : memref<10240xf32, #tpu.memory_space<vmem_shared>> -> memref<10240xf32, #tpu.memory_space<vmem_shared>>
      tpu.enqueue_indirect_dma source(%dma_start3A_60 : memref<128xf32, #tpu.memory_space<vmem>>) target(%dma_start3A_65 : memref<10240xf32, #tpu.memory_space<vmem_shared>>) offsets(%dma_start3A_63 : memref<128xi32, #tpu.memory_space<vmem>>) semaphore(%arg11 : memref<!tpu.dma_semaphore, #tpu.memory_space<semaphore_mem>>) {add = true}
      %dma_wait3A = arith.constant 0 : i32
      %dma_wait3A_66 = arith.constant 12288 : i32
      %dma_wait3A_67 = tpu.memref_slice %arg6[%dma_wait3A_66] : memref<20480xf32, #tpu.memory_space<vmem>> -> memref<128xf32, #tpu.memory_space<vmem>>
      %dma_wait3A_68 = arith.constant 0 : i32
      %dma_wait3A_69 = tpu.memref_slice %arg8[%dma_wait3A, %dma_wait3A_68] : memref<4x128xi32, #tpu.memory_space<vmem>> -> memref<1x128xi32, #tpu.memory_space<vmem>>
      %dma_wait3A_70 = tpu.memref_squeeze %dma_wait3A_69 : memref<1x128xi32, #tpu.memory_space<vmem>> -> memref<128xi32, #tpu.memory_space<vmem>>
      %dma_wait3A_71 = arith.constant 0 : i32
      %dma_wait3A_72 = tpu.memref_slice %arg10[%dma_wait3A_71] : memref<10240xf32, #tpu.memory_space<vmem_shared>> -> memref<10240xf32, #tpu.memory_space<vmem_shared>>
      tpu.wait_indirect_dma semaphore(%arg11 : memref<!tpu.dma_semaphore, #tpu.memory_space<semaphore_mem>>) src(%dma_wait3A_67 : memref<128xf32, #tpu.memory_space<vmem>>) dst(%dma_wait3A_72 : memref<10240xf32, #tpu.memory_space<vmem_shared>>)
      %dma_wait3A_73 = arith.constant 1 : i32
      %dma_wait3A_74 = arith.constant 12416 : i32
      %dma_wait3A_75 = tpu.memref_slice %arg6[%dma_wait3A_74] : memref<20480xf32, #tpu.memory_space<vmem>> -> memref<128xf32, #tpu.memory_space<vmem>>
      %dma_wait3A_76 = arith.constant 0 : i32
      %dma_wait3A_77 = tpu.memref_slice %arg8[%dma_wait3A_73, %dma_wait3A_76] : memref<4x128xi32, #tpu.memory_space<vmem>> -> memref<1x128xi32, #tpu.memory_space<vmem>>
      %dma_wait3A_78 = tpu.memref_squeeze %dma_wait3A_77 : memref<1x128xi32, #tpu.memory_space<vmem>> -> memref<128xi32, #tpu.memory_space<vmem>>
      %dma_wait3A_79 = arith.constant 0 : i32
      %dma_wait3A_80 = tpu.memref_slice %arg10[%dma_wait3A_79] : memref<10240xf32, #tpu.memory_space<vmem_shared>> -> memref<10240xf32, #tpu.memory_space<vmem_shared>>
      tpu.wait_indirect_dma semaphore(%arg11 : memref<!tpu.dma_semaphore, #tpu.memory_space<semaphore_mem>>) src(%dma_wait3A_75 : memref<128xf32, #tpu.memory_space<vmem>>) dst(%dma_wait3A_80 : memref<10240xf32, #tpu.memory_space<vmem_shared>>)
      %dma_wait3A_81 = arith.constant 2 : i32
      %dma_wait3A_82 = arith.constant 12544 : i32
      %dma_wait3A_83 = tpu.memref_slice %arg6[%dma_wait3A_82] : memref<20480xf32, #tpu.memory_space<vmem>> -> memref<128xf32, #tpu.memory_space<vmem>>
      %dma_wait3A_84 = arith.constant 0 : i32
      %dma_wait3A_85 = tpu.memref_slice %arg8[%dma_wait3A_81, %dma_wait3A_84] : memref<4x128xi32, #tpu.memory_space<vmem>> -> memref<1x128xi32, #tpu.memory_space<vmem>>
      %dma_wait3A_86 = tpu.memref_squeeze %dma_wait3A_85 : memref<1x128xi32, #tpu.memory_space<vmem>> -> memref<128xi32, #tpu.memory_space<vmem>>
      %dma_wait3A_87 = arith.constant 0 : i32
      %dma_wait3A_88 = tpu.memref_slice %arg10[%dma_wait3A_87] : memref<10240xf32, #tpu.memory_space<vmem_shared>> -> memref<10240xf32, #tpu.memory_space<vmem_shared>>
      tpu.wait_indirect_dma semaphore(%arg11 : memref<!tpu.dma_semaphore, #tpu.memory_space<semaphore_mem>>) src(%dma_wait3A_83 : memref<128xf32, #tpu.memory_space<vmem>>) dst(%dma_wait3A_88 : memref<10240xf32, #tpu.memory_space<vmem_shared>>)
      %dma_wait3A_89 = arith.constant 3 : i32
      %dma_wait3A_90 = arith.constant 12672 : i32
      %dma_wait3A_91 = tpu.memref_slice %arg6[%dma_wait3A_90] : memref<20480xf32, #tpu.memory_space<vmem>> -> memref<128xf32, #tpu.memory_space<vmem>>
      %dma_wait3A_92 = arith.constant 0 : i32
      %dma_wait3A_93 = tpu.memref_slice %arg8[%dma_wait3A_89, %dma_wait3A_92] : memref<4x128xi32, #tpu.memory_space<vmem>> -> memref<1x128xi32, #tpu.memory_space<vmem>>
      %dma_wait3A_94 = tpu.memref_squeeze %dma_wait3A_93 : memref<1x128xi32, #tpu.memory_space<vmem>> -> memref<128xi32, #tpu.memory_space<vmem>>
      %dma_wait3A_95 = arith.constant 0 : i32
      %dma_wait3A_96 = tpu.memref_slice %arg10[%dma_wait3A_95] : memref<10240xf32, #tpu.memory_space<vmem_shared>> -> memref<10240xf32, #tpu.memory_space<vmem_shared>>
      tpu.wait_indirect_dma semaphore(%arg11 : memref<!tpu.dma_semaphore, #tpu.memory_space<semaphore_mem>>) src(%dma_wait3A_91 : memref<128xf32, #tpu.memory_space<vmem>>) dst(%dma_wait3A_96 : memref<10240xf32, #tpu.memory_space<vmem_shared>>)
    } else {
    }
    %barrier3A_24 = arith.constant 0 : index
    tpu.barrier barrier_id(%barrier3A_24)
    %mul3A_25 = arith.constant 5120 : i32
    %mul3A_26 = arith.muli %arg0, %mul3A_25 : i32
    %mul3A_27 = arith.constant 320 : i32
    %mul3A_28 = arith.muli %arg1, %mul3A_27 : i32
    %add3A = arith.addi %mul3A_26, %mul3A_28 : i32
    "tpu.region"() ({
      %run_scoped3A = tpu.sem_alloc : memref<!tpu.dma_semaphore, #tpu.memory_space<semaphore_mem>>
      %dma_start3A = arith.constant 0 : i32
      %dma_start3A_29 = tpu.memref_slice %arg9[%dma_start3A] : memref<640xf32, #tpu.memory_space<vmem>> -> memref<320xf32, #tpu.memory_space<vmem>>
      %dma_start3A_30 = tpu.memref_slice %arg10[%add3A] : memref<10240xf32, #tpu.memory_space<vmem_shared>> -> memref<320xf32, #tpu.memory_space<vmem_shared>>
      %dma_start3A_31 = arith.constant 0 : i32
      %dma_start3A_32 = tpu.memref_slice %arg9[%dma_start3A_31] : memref<640xf32, #tpu.memory_space<vmem>> -> memref<320xf32, #tpu.memory_space<vmem>>
      %dma_start3A_33 = tpu.memref_slice %arg10[%add3A] : memref<10240xf32, #tpu.memory_space<vmem_shared>> -> memref<320xf32, #tpu.memory_space<vmem_shared>>
      tpu.enqueue_dma source(%dma_start3A_33 : memref<320xf32, #tpu.memory_space<vmem_shared>>) target(%dma_start3A_32 : memref<320xf32, #tpu.memory_space<vmem>>) target_semaphore(%run_scoped3A : memref<!tpu.dma_semaphore, #tpu.memory_space<semaphore_mem>>)
      %dma_wait3A = arith.constant 0 : i32
      %dma_wait3A_34 = tpu.memref_slice %arg9[%dma_wait3A] : memref<640xf32, #tpu.memory_space<vmem>> -> memref<320xf32, #tpu.memory_space<vmem>>
      %dma_wait3A_35 = tpu.memref_slice %arg10[%add3A] : memref<10240xf32, #tpu.memory_space<vmem_shared>> -> memref<320xf32, #tpu.memory_space<vmem_shared>>
      %dma_wait3A_36 = arith.constant 0 : i32
      %dma_wait3A_37 = tpu.memref_slice %arg9[%dma_wait3A_36] : memref<640xf32, #tpu.memory_space<vmem>> -> memref<320xf32, #tpu.memory_space<vmem>>
      %dma_wait3A_38 = tpu.memref_slice %arg10[%add3A] : memref<10240xf32, #tpu.memory_space<vmem_shared>> -> memref<320xf32, #tpu.memory_space<vmem_shared>>
      tpu.wait_dma2 semaphore(%run_scoped3A : memref<!tpu.dma_semaphore, #tpu.memory_space<semaphore_mem>>) src(%dma_wait3A_38 : memref<320xf32, #tpu.memory_space<vmem_shared>>) dst(%dma_wait3A_37 : memref<320xf32, #tpu.memory_space<vmem>>)
      tpu.yield
    }) : () -> ()
    "tpu.region"() ({
      %run_scoped3A = tpu.sem_alloc : memref<!tpu.dma_semaphore, #tpu.memory_space<semaphore_mem>>
      %dma_start3A = arith.constant 0 : i32
      %dma_start3A_29 = tpu.memref_slice %arg9[%dma_start3A] : memref<640xf32, #tpu.memory_space<vmem>> -> memref<320xf32, #tpu.memory_space<vmem>>
      %dma_start3A_30 = tpu.memref_slice %arg5[%add3A] : memref<10240xf32, #tpu.memory_space<hbm>> -> memref<320xf32, #tpu.memory_space<hbm>>
      %dma_start3A_31 = tpu.memref_slice %arg5[%add3A] : memref<10240xf32, #tpu.memory_space<hbm>> -> memref<320xf32, #tpu.memory_space<hbm>>
      %dma_start3A_32 = arith.constant 0 : i32
      %dma_start3A_33 = tpu.memref_slice %arg9[%dma_start3A_32] : memref<640xf32, #tpu.memory_space<vmem>> -> memref<320xf32, #tpu.memory_space<vmem>>
      tpu.enqueue_dma source(%dma_start3A_33 : memref<320xf32, #tpu.memory_space<vmem>>) target(%dma_start3A_31 : memref<320xf32, #tpu.memory_space<hbm>>) target_semaphore(%run_scoped3A : memref<!tpu.dma_semaphore, #tpu.memory_space<semaphore_mem>>)
      %dma_wait3A = arith.constant 0 : i32
      %dma_wait3A_34 = tpu.memref_slice %arg9[%dma_wait3A] : memref<640xf32, #tpu.memory_space<vmem>> -> memref<320xf32, #tpu.memory_space<vmem>>
      %dma_wait3A_35 = tpu.memref_slice %arg5[%add3A] : memref<10240xf32, #tpu.memory_space<hbm>> -> memref<320xf32, #tpu.memory_space<hbm>>
      %dma_wait3A_36 = tpu.memref_slice %arg5[%add3A] : memref<10240xf32, #tpu.memory_space<hbm>> -> memref<320xf32, #tpu.memory_space<hbm>>
      %dma_wait3A_37 = arith.constant 0 : i32
      %dma_wait3A_38 = tpu.memref_slice %arg9[%dma_wait3A_37] : memref<640xf32, #tpu.memory_space<vmem>> -> memref<320xf32, #tpu.memory_space<vmem>>
      tpu.wait_dma2 semaphore(%run_scoped3A : memref<!tpu.dma_semaphore, #tpu.memory_space<semaphore_mem>>) src(%dma_wait3A_38 : memref<320xf32, #tpu.memory_space<vmem>>) dst(%dma_wait3A_36 : memref<320xf32, #tpu.memory_space<hbm>>)
      tpu.yield
    }) : () -> ()
    return
  }
}

module attributes {stable_mosaic.version = 14 : i64} {
  func.func @_tc_body(%arg0: i32, %arg1: memref<320000x128xf32, #tpu.memory_space<any>>, %arg2: memref<128x128xf32, #tpu.memory_space<vmem>>, %arg3: memref<1x128xf32, #tpu.memory_space<vmem>>, %arg4: memref<1x128xf32, #tpu.memory_space<vmem>>, %arg5: memref<320000xf32, #tpu.memory_space<vmem>>, %arg6: memref<3x12800x128xf32, #tpu.memory_space<vmem>>, %arg7: memref<3x!tpu.dma_semaphore, #tpu.memory_space<semaphore_mem>>) attributes {dimension_semantics = [#tpu.dimension_semantics<arbitrary>], iteration_bounds = array<i64: 25>, scalar_prefetch = 0 : i64, scratch_operands = 2 : i64, tpu.core_type = #tpu.core_type<tc>, window_params = [{}, {pipeline_mode = #tpu.pipeline_mode<synchronous>, transform_indices = @transform_1, window_bounds = array<i64: 128, 128>}, {pipeline_mode = #tpu.pipeline_mode<synchronous>, transform_indices = @transform_2, window_bounds = array<i64: 1, 128>}, {pipeline_mode = #tpu.pipeline_mode<synchronous>, transform_indices = @transform_3, window_bounds = array<i64: 1, 128>}, {pipeline_mode = #tpu.pipeline_mode<synchronous>, transform_indices = @transform_4, window_bounds = array<i64: 320000>}]} {
    %eq3A = arith.constant 0 : i32
    %eq3A_0 = arith.cmpi eq, %arg0, %eq3A : i32
    %convert_element_type3A = arith.extui %eq3A_0 : i1 to i32
    %cond3A = arith.constant 0 : i32
    %cond3A_1 = arith.cmpi ne, %convert_element_type3A, %cond3A : i32
    scf.if %cond3A_1 {
      %dma_start3A = arith.constant 0 : i32
      %dma_start3A_40 = arith.constant 0 : i32
      %dma_start3A_41 = tpu.memref_slice %arg7[%dma_start3A_40] : memref<3x!tpu.dma_semaphore, #tpu.memory_space<semaphore_mem>> -> memref<1x!tpu.dma_semaphore, #tpu.memory_space<semaphore_mem>>
      %dma_start3A_42 = tpu.memref_squeeze %dma_start3A_41 : memref<1x!tpu.dma_semaphore, #tpu.memory_space<semaphore_mem>> -> memref<!tpu.dma_semaphore, #tpu.memory_space<semaphore_mem>>
      %dma_start3A_43 = arith.constant 0 : i32
      %dma_start3A_44 = arith.constant 0 : i32
      %dma_start3A_45 = tpu.memref_slice %arg6[%dma_start3A, %dma_start3A_43, %dma_start3A_44] : memref<3x12800x128xf32, #tpu.memory_space<vmem>> -> memref<1x12800x128xf32, #tpu.memory_space<vmem>>
      %dma_start3A_46 = tpu.memref_squeeze %dma_start3A_45 : memref<1x12800x128xf32, #tpu.memory_space<vmem>> -> memref<12800x128xf32, #tpu.memory_space<vmem>>
      %dma_start3A_47 = arith.constant 0 : i32
      %dma_start3A_48 = arith.constant 0 : i32
      %dma_start3A_49 = tpu.memref_slice %arg1[%dma_start3A_47, %dma_start3A_48] : memref<320000x128xf32, #tpu.memory_space<any>> -> memref<12800x128xf32, #tpu.memory_space<any>>
      tpu.enqueue_dma source(%dma_start3A_49 : memref<12800x128xf32, #tpu.memory_space<any>>) target(%dma_start3A_46 : memref<12800x128xf32, #tpu.memory_space<vmem>>) target_semaphore(%dma_start3A_42 : memref<!tpu.dma_semaphore, #tpu.memory_space<semaphore_mem>>)
      %dma_start3A_50 = arith.constant 1 : i32
      %dma_start3A_51 = arith.constant 1 : i32
      %dma_start3A_52 = tpu.memref_slice %arg7[%dma_start3A_51] : memref<3x!tpu.dma_semaphore, #tpu.memory_space<semaphore_mem>> -> memref<1x!tpu.dma_semaphore, #tpu.memory_space<semaphore_mem>>
      %dma_start3A_53 = tpu.memref_squeeze %dma_start3A_52 : memref<1x!tpu.dma_semaphore, #tpu.memory_space<semaphore_mem>> -> memref<!tpu.dma_semaphore, #tpu.memory_space<semaphore_mem>>
      %dma_start3A_54 = arith.constant 0 : i32
      %dma_start3A_55 = arith.constant 0 : i32
      %dma_start3A_56 = tpu.memref_slice %arg6[%dma_start3A_50, %dma_start3A_54, %dma_start3A_55] : memref<3x12800x128xf32, #tpu.memory_space<vmem>> -> memref<1x12800x128xf32, #tpu.memory_space<vmem>>
      %dma_start3A_57 = tpu.memref_squeeze %dma_start3A_56 : memref<1x12800x128xf32, #tpu.memory_space<vmem>> -> memref<12800x128xf32, #tpu.memory_space<vmem>>
      %dma_start3A_58 = arith.constant 12800 : i32
      %dma_start3A_59 = arith.constant 0 : i32
      %dma_start3A_60 = tpu.memref_slice %arg1[%dma_start3A_58, %dma_start3A_59] : memref<320000x128xf32, #tpu.memory_space<any>> -> memref<12800x128xf32, #tpu.memory_space<any>>
      tpu.enqueue_dma source(%dma_start3A_60 : memref<12800x128xf32, #tpu.memory_space<any>>) target(%dma_start3A_57 : memref<12800x128xf32, #tpu.memory_space<vmem>>) target_semaphore(%dma_start3A_53 : memref<!tpu.dma_semaphore, #tpu.memory_space<semaphore_mem>>)
      %dma_start3A_61 = arith.constant 2 : i32
      %dma_start3A_62 = arith.constant 2 : i32
      %dma_start3A_63 = tpu.memref_slice %arg7[%dma_start3A_62] : memref<3x!tpu.dma_semaphore, #tpu.memory_space<semaphore_mem>> -> memref<1x!tpu.dma_semaphore, #tpu.memory_space<semaphore_mem>>
      %dma_start3A_64 = tpu.memref_squeeze %dma_start3A_63 : memref<1x!tpu.dma_semaphore, #tpu.memory_space<semaphore_mem>> -> memref<!tpu.dma_semaphore, #tpu.memory_space<semaphore_mem>>
      %dma_start3A_65 = arith.constant 0 : i32
      %dma_start3A_66 = arith.constant 0 : i32
      %dma_start3A_67 = tpu.memref_slice %arg6[%dma_start3A_61, %dma_start3A_65, %dma_start3A_66] : memref<3x12800x128xf32, #tpu.memory_space<vmem>> -> memref<1x12800x128xf32, #tpu.memory_space<vmem>>
      %dma_start3A_68 = tpu.memref_squeeze %dma_start3A_67 : memref<1x12800x128xf32, #tpu.memory_space<vmem>> -> memref<12800x128xf32, #tpu.memory_space<vmem>>
      %dma_start3A_69 = arith.constant 25600 : i32
      %dma_start3A_70 = arith.constant 0 : i32
      %dma_start3A_71 = tpu.memref_slice %arg1[%dma_start3A_69, %dma_start3A_70] : memref<320000x128xf32, #tpu.memory_space<any>> -> memref<12800x128xf32, #tpu.memory_space<any>>
      tpu.enqueue_dma source(%dma_start3A_71 : memref<12800x128xf32, #tpu.memory_space<any>>) target(%dma_start3A_68 : memref<12800x128xf32, #tpu.memory_space<vmem>>) target_semaphore(%dma_start3A_64 : memref<!tpu.dma_semaphore, #tpu.memory_space<semaphore_mem>>)
    } else {
    }
    %rem3A = arith.constant 3 : i32
    %rem3A_2 = arith.remsi %arg0, %rem3A : i32
    %mul3A = arith.constant 12800 : i32
    %mul3A_3 = arith.muli %arg0, %mul3A : i32
    %dma_wait3A = tpu.memref_slice %arg7[%rem3A_2] : memref<3x!tpu.dma_semaphore, #tpu.memory_space<semaphore_mem>> -> memref<1x!tpu.dma_semaphore, #tpu.memory_space<semaphore_mem>>
    %dma_wait3A_4 = tpu.memref_squeeze %dma_wait3A : memref<1x!tpu.dma_semaphore, #tpu.memory_space<semaphore_mem>> -> memref<!tpu.dma_semaphore, #tpu.memory_space<semaphore_mem>>
    %dma_wait3A_5 = arith.constant 0 : i32
    %dma_wait3A_6 = arith.constant 0 : i32
    %dma_wait3A_7 = tpu.memref_slice %arg6[%rem3A_2, %dma_wait3A_5, %dma_wait3A_6] : memref<3x12800x128xf32, #tpu.memory_space<vmem>> -> memref<1x12800x128xf32, #tpu.memory_space<vmem>>
    %dma_wait3A_8 = tpu.memref_squeeze %dma_wait3A_7 : memref<1x12800x128xf32, #tpu.memory_space<vmem>> -> memref<12800x128xf32, #tpu.memory_space<vmem>>
    %dma_wait3A_9 = arith.constant 0 : i32
    %dma_wait3A_10 = tpu.memref_slice %arg1[%mul3A_3, %dma_wait3A_9] : memref<320000x128xf32, #tpu.memory_space<any>> -> memref<12800x128xf32, #tpu.memory_space<any>>
    tpu.wait_dma2 semaphore(%dma_wait3A_4 : memref<!tpu.dma_semaphore, #tpu.memory_space<semaphore_mem>>) src(%dma_wait3A_10 : memref<12800x128xf32, #tpu.memory_space<any>>) dst(%dma_wait3A_8 : memref<12800x128xf32, #tpu.memory_space<vmem>>)
    %get3A = arith.index_cast %rem3A_2 : i32 to index
    %get3A_11 = arith.constant 0 : index
    %get3A_12 = arith.constant 0 : index
    %get3A_13 = vector.load %arg6[%get3A, %get3A_11, %get3A_12] : memref<3x12800x128xf32, #tpu.memory_space<vmem>>, vector<1x12800x128xf32>
    %get3A_14 = vector.shape_cast %get3A_13 : vector<1x12800x128xf32> to vector<12800x128xf32>
    %get3A_15 = arith.constant 0 : index
    %get3A_16 = arith.constant 0 : index
    %get3A_17 = vector.load %arg2[%get3A_15, %get3A_16] : memref<128x128xf32, #tpu.memory_space<vmem>>, vector<128x128xf32>
    %dot_general3A = arith.constant dense<0.000000e+00> : vector<12800x128xf32>
    %dot_general3A_18 = tpu.matmul %get3A_14, %get3A_17, %dot_general3A {dimension_numbers = #tpu.dot_dimension_numbers<[1], [0], [0], [1], [0, 0, 1, 1], [], []>, transpose_lhs_hint = false} : vector<12800x128xf32>, vector<128x128xf32>, vector<12800x128xf32> -> vector<12800x128xf32>
    %get3A_19 = arith.constant 0 : index
    %get3A_20 = arith.constant 0 : index
    %get3A_21 = vector.load %arg3[%get3A_19, %get3A_20] : memref<1x128xf32, #tpu.memory_space<vmem>>, vector<1x128xf32>
    %add3A = vector.broadcast %get3A_21 : vector<1x128xf32> to vector<12800x128xf32>
    %add3A_22 = arith.addf %dot_general3A_18, %add3A : vector<12800x128xf32>
    %max3A = arith.constant 0.000000e+00 : f32
    %max3A_23 = vector.broadcast %max3A : f32 to vector<12800x128xf32>
    %max3A_24 = arith.maximumf %add3A_22, %max3A_23 : vector<12800x128xf32>
    %get3A_25 = arith.constant 0 : index
    %get3A_26 = arith.constant 0 : index
    %get3A_27 = vector.load %arg4[%get3A_25, %get3A_26] : memref<1x128xf32, #tpu.memory_space<vmem>>, vector<1x128xf32>
    %get3A_28 = vector.shape_cast %get3A_27 : vector<1x128xf32> to vector<1x128xf32>
    %dot_general3A_29 = arith.constant dense<0.000000e+00> : vector<1x12800xf32>
    %dot_general3A_30 = tpu.matmul %get3A_28, %max3A_24, %dot_general3A_29 {dimension_numbers = #tpu.dot_dimension_numbers<[1], [1], [0], [0], [0, 0, 1, 0], [], []>, transpose_lhs_hint = false} : vector<1x128xf32>, vector<12800x128xf32>, vector<1x12800xf32> -> vector<1x12800xf32>
    %reshape3A = vector.shape_cast %dot_general3A_30 : vector<1x12800xf32> to vector<12800xf32>
    %mul3A_31 = arith.constant 12800 : i32
    %mul3A_32 = arith.muli %arg0, %mul3A_31 : i32
    %swap3A = arith.index_cast %mul3A_32 : i32 to index
    %swap3A_33 = vector.load %arg5[%swap3A] : memref<320000xf32, #tpu.memory_space<vmem>>, vector<12800xf32>
    tpu.vector_store %arg5[%swap3A], %reshape3A {strides = array<i32>} : memref<320000xf32, #tpu.memory_space<vmem>>, vector<12800xf32>,
    %add3A_34 = arith.constant 3 : i32
    %add3A_35 = arith.addi %arg0, %add3A_34 : i32
    %lt3A = arith.constant 25 : i32
    %lt3A_36 = arith.cmpi slt, %add3A_35, %lt3A : i32
    %convert_element_type3A_37 = arith.extui %lt3A_36 : i1 to i32
    %cond3A_38 = arith.constant 0 : i32
    %cond3A_39 = arith.cmpi ne, %convert_element_type3A_37, %cond3A_38 : i32
    scf.if %cond3A_39 {
      %add3A_40 = arith.constant 3 : i32
      %add3A_41 = arith.addi %arg0, %add3A_40 : i32
      %mul3A_42 = arith.constant 12800 : i32
      %mul3A_43 = arith.muli %add3A_41, %mul3A_42 : i32
      %dma_start3A = tpu.memref_slice %arg7[%rem3A_2] : memref<3x!tpu.dma_semaphore, #tpu.memory_space<semaphore_mem>> -> memref<1x!tpu.dma_semaphore, #tpu.memory_space<semaphore_mem>>
      %dma_start3A_44 = tpu.memref_squeeze %dma_start3A : memref<1x!tpu.dma_semaphore, #tpu.memory_space<semaphore_mem>> -> memref<!tpu.dma_semaphore, #tpu.memory_space<semaphore_mem>>
      %dma_start3A_45 = arith.constant 0 : i32
      %dma_start3A_46 = arith.constant 0 : i32
      %dma_start3A_47 = tpu.memref_slice %arg6[%rem3A_2, %dma_start3A_45, %dma_start3A_46] : memref<3x12800x128xf32, #tpu.memory_space<vmem>> -> memref<1x12800x128xf32, #tpu.memory_space<vmem>>
      %dma_start3A_48 = tpu.memref_squeeze %dma_start3A_47 : memref<1x12800x128xf32, #tpu.memory_space<vmem>> -> memref<12800x128xf32, #tpu.memory_space<vmem>>
      %dma_start3A_49 = arith.constant 0 : i32
      %dma_start3A_50 = tpu.memref_slice %arg1[%mul3A_43, %dma_start3A_49] : memref<320000x128xf32, #tpu.memory_space<any>> -> memref<12800x128xf32, #tpu.memory_space<any>>
      tpu.enqueue_dma source(%dma_start3A_50 : memref<12800x128xf32, #tpu.memory_space<any>>) target(%dma_start3A_48 : memref<12800x128xf32, #tpu.memory_space<vmem>>) target_semaphore(%dma_start3A_44 : memref<!tpu.dma_semaphore, #tpu.memory_space<semaphore_mem>>)
    } else {
    }
    return
  }
  func.func @transform_1(%arg0: i32) -> (i32, i32) {
    %c0_i32 = arith.constant 0 : i32
    %c0_i32_0 = arith.constant 0 : i32
    %c0_i32_1 = arith.constant 0 : i32
    return %c0_i32, %c0_i32_0 : i32, i32
  }
  func.func @transform_2(%arg0: i32) -> (i32, i32) {
    %c0_i32 = arith.constant 0 : i32
    %c0_i32_0 = arith.constant 0 : i32
    %c0_i32_1 = arith.constant 0 : i32
    return %c0_i32, %c0_i32_0 : i32, i32
  }
  func.func @transform_3(%arg0: i32) -> (i32, i32) {
    %c0_i32 = arith.constant 0 : i32
    %c0_i32_0 = arith.constant 0 : i32
    %c0_i32_1 = arith.constant 0 : i32
    return %c0_i32, %c0_i32_0 : i32, i32
  }
  func.func @transform_4(%arg0: i32) -> i32 {
    %c0_i32 = arith.constant 0 : i32
    %c0_i32_0 = arith.constant 0 : i32
    return %c0_i32 : i32
  }
}

</mosaic_0001>

<sc_bundles>
// kernel: kernel.4.cloned.1.call-start
scs
__scs_entry_jumppad:
0x0: {  	(pc) =	sbr.rel $0x88, $3  }
0x1: {  	(tag) =	ssettag $0x0;
	lr =	simm.s32 $0x1  }
0x2: {  	[smem:$0x3F9C] =	sst lr;
	_ =	strace $0xD0000000  }
0x3: {  	_ = 	snop  }
0x4: {  	_ = 	snop  }
0x5: {  	_ = 	snop  }
0x6: {  	_ = 	snop  }
0x7: {  	_ = 	snop  }
__scs_overlays_trampoline_lowered:
0x8: {  	[smem:$0x3FAB] =	sst s0  }
0x9: {  	[smem:$0x3FAC] =	sst s1  }
0xa: {  	[smem:$0x3FAD] =	sst s2  }
0xb: {  	[smem:$0x3FAE] =	sst s3  }
0xc: {  	[smem:$0x3FAF] =	sst s4  }
0xd: {  	[smem:$0x3FB0] =	sst s5  }
0xe: {  	[smem:$0x3FB1] =	sst s6  }
0xf: {  	[smem:$0x3FB2] =	sst s7  }
0x10: {  	[smem:$0x3FB3] =	sst s8  }
0x11: {  	[smem:$0x3FB4] =	sst s9;
	s0 =	simm.s32 @!p0 $0x0  }
0x12: {  	s1 =	sld [smem:$0x3F9A];
	s0 =	simm.s32 @p0 $0x1  }
0x13: {  	[smem:$0x3FB5] =	sst s0;
	s0 =	simm.s32 @!p1 $0x0  }
0x14: {  	s2 =	sld [smem:$0x3F99];
	s0 =	simm.s32 @p1 $0x1  }
0x15: {  	[smem:$0x3FB6] =	sst s0;
	s0 =	simm.s32 @!p2 $0x0  }
0x16: {  	s3 =	sld [smem:$0x3FDB];
	s0 =	simm.s32 @p2 $0x1  }
0x17: {  	s4 =	simm.s32 $0x1BF5;
	[smem:$0x3FB8] =	sst s0  }
0x18: {  	s0 =	sld [smem:$0x3F9B];
	_ =	swait.ge [sflag:s4], $0x0  }
0x19: {  	s7 =	sld [smem:$0x3F9C]  }
0x1a: {  	s8 =	sadd.s32 $0xFFFFE003, lr  }
0x1b: {  	s9 =	sadd.s32 $0xFFFFFEF7, lr;
	s5 =	simm.s32 $0xFFFFFFFF;
	p2 =	slt.u32 s8, $0xFFFFF086  }
0x1c: {  	p1 =	slt.u32 s9, $0xF7A;
	s5 =	simm.s32 @!p2 $0x0  }
0x1d: {  	s5 =	simm.s32 @p1 $0x1;
	p0 =	seq.s32 s7, s2  }
0x1e: {  	s7 =	smul.u32 @!p0 $0xF7A, s2;
	p2 =	seq.s32 @!p0 s5, $0x0  }
0x1f: {  	s9 =	smul.u32 $0xF7A, s1;
	s8 =	simm.s32 @!p0 $0x1BF5;
	p2 =	por !p2, p0  }
0x20: {  	[sflag:s8] =	ssyncset.s32 @!p0 $0xFFFFF086;
	s6 =	sadd.s32 @!p0 s3, s7;
	s7 =	simm.s32 @!p0 $0x108  }
0x21: {  	s3 =	sadd.s32 s3, s9;
	s6 =	sadd.s32 @!p0 $0x88, s6;
	s7 =	simm.s32 @p2 $0x1082  }
0x22: {  	[simem:s7], [sflag:s8] =	dma.local @!p0 [hbm:s6], $0xF7A  }
0x23: {  	s9 =	sor.u32 $0xD0000000, s2;
	s6 =	simm.s32 $0x108;
	_ =	swait.ge @!p0 [sflag:s8], $0x0  }
0x24: {  	s3 =	sadd.s32 $0x88, s3;
	s6 =	simm.s32 @!p1 $0x1082;
	[sflag:s4] =	ssyncset.s32 $0xFFFFF086  }
0x25: {  	[simem:s6], [sflag:s4] =	dma.local [hbm:s3], $0xF7A  }
0x26: {  	[smem:$0x3F9C] =	sst s1;
	(tag) =	ssettag s2;
	_ =	strace s9  }
0x27: {  	s1 =	sld [smem:$0x3FAC]  }
0x28: {  	s2 =	sld [smem:$0x3FAD]  }
0x29: {  	s4 =	sld [smem:$0x3FAF]  }
0x2a: {  	p0 =	seq.s32 s5, $0x0;
	s5 =	sld [smem:$0x3FB0]  }
0x2b: {  	s6 =	sld [smem:$0x3FB1]  }
0x2c: {  	s7 =	sld [smem:$0x3FB2]  }
0x2d: {  	s3 =	simm.s32 $0x108;
	s8 =	sld [smem:$0x3FB3]  }
0x2e: {  	s3 =	simm.s32 @!p0 $0x1082;
	s9 =	sld [smem:$0x3FB4]  }
0x2f: {  	lr =	sadd.s32 s0, s3;
	s0 =	sld [smem:$0x3FAB]  }
0x30: {  	s3 =	sld [smem:$0x3FAE]  }
0x31: {  	[smem:$0x3FB7] =	sst s10  }
0x32: {  	s10 =	sld [smem:$0x3FB5];
	_ =	sdelay $0x3  }
0x33: {  	p0 =	seq.s32 s10, $0x1;
	s10 =	sld [smem:$0x3FB7];
	_ =	sdelay $0x3  }
0x34: {  	[smem:$0x3FB7] =	sst s10  }
0x35: {  	s10 =	sld [smem:$0x3FB6];
	_ =	sdelay $0x3  }
0x36: {  	p1 =	seq.s32 s10, $0x1;
	s10 =	sld [smem:$0x3FB7];
	_ =	sdelay $0x3  }
0x37: {  	[smem:$0x3FB7] =	sst s10  }
0x38: {  	s10 =	sld [smem:$0x3FB8]  }
0x39: {  	_ = 	snop;
	(pc) =	sbr.ind lr, $3  }
0x3a: {  	_ = 	snop  }
0x3b: {  	_ = 	snop  }
0x3c: {  	p2 =	seq.s32 s10, $0x1;
	s10 =	sld [smem:$0x3FB7]  }
0x3d: {  	_ =	shalt  }
0x3e: {  	_ =	shalt  }
0x3f: {  	_ =	shalt  }
0x40: {  	_ =	shalt  }
0x41: {  	_ =	shalt  }
0x42: {  	_ =	shalt  }
0x43: {  	_ =	shalt  }
0x44: {  	_ =	shalt  }
0x45: {  	_ =	shalt  }
0x46: {  	_ =	shalt  }
0x47: {  	_ =	shalt  }
0x48: {  	_ =	shalt  }
0x49: {  	_ =	shalt  }
0x4a: {  	_ =	shalt  }
0x4b: {  	_ =	shalt  }
0x4c: {  	_ =	shalt  }
0x4d: {  	_ =	shalt  }
0x4e: {  	_ =	shalt  }
0x4f: {  	_ =	shalt  }
0x50: {  	_ =	shalt  }
0x51: {  	_ =	shalt  }
0x52: {  	_ =	shalt  }
0x53: {  	_ =	shalt  }
0x54: {  	_ =	shalt  }
0x55: {  	_ =	shalt  }
0x56: {  	_ =	shalt  }
0x57: {  	_ =	shalt  }
0x58: {  	_ =	shalt  }
0x59: {  	_ =	shalt  }
0x5a: {  	_ =	shalt  }
0x5b: {  	_ =	shalt  }
0x5c: {  	_ =	shalt  }
0x5d: {  	_ =	shalt  }
0x5e: {  	_ =	shalt  }
0x5f: {  	_ =	shalt  }
0x60: {  	_ =	shalt  }
0x61: {  	_ =	shalt  }
0x62: {  	_ =	shalt  }
0x63: {  	_ =	shalt  }
0x64: {  	_ =	shalt  }
0x65: {  	_ =	shalt  }
0x66: {  	_ =	shalt  }
0x67: {  	_ =	shalt  }
0x68: {  	_ =	shalt  }
0x69: {  	_ =	shalt  }
0x6a: {  	_ =	shalt  }
0x6b: {  	_ =	shalt  }
0x6c: {  	_ =	shalt  }
0x6d: {  	_ =	shalt  }
0x6e: {  	_ =	shalt  }
0x6f: {  	_ =	shalt  }
0x70: {  	_ =	shalt  }
0x71: {  	_ =	shalt  }
0x72: {  	_ =	shalt  }
0x73: {  	_ =	shalt  }
0x74: {  	_ =	shalt  }
0x75: {  	_ =	shalt  }
0x76: {  	_ =	shalt  }
0x77: {  	_ =	shalt  }
0x78: {  	_ =	shalt  }
0x79: {  	_ =	shalt  }
0x7a: {  	_ =	shalt  }
0x7b: {  	_ =	shalt  }
0x7c: {  	_ =	shalt  }
0x7d: {  	_ =	shalt  }
0x7e: {  	_ =	shalt  }
0x7f: {  	_ =	shalt  }
0x80: {  	_ =	shalt  }
0x81: {  	_ =	shalt  }
0x82: {  	_ =	shalt  }
0x83: {  	_ =	shalt  }
0x84: {  	_ =	shalt  }
0x85: {  	_ =	shalt  }
0x86: {  	_ =	shalt  }
0x87: {  	_ =	shalt  }
.Lfunc_end0:
.L_simem_size_0:
called_computation_lowered:
.L_overlay_start_0:
0x88: {  	s2 =	sld [smem:$0x3FD9]  }
0x89: {  	s3 =	sld [smem:$0x3FFE];
	_ =	sdelay $0x1  }
0x8a: {  	s1 =	srdreg.scid  }
0x8b: {  	s0 =	sand.u32 $0x1, s1  }
0x8c: {  	s17 =	sshll.u32 s0, $0xA;
	s2 =	sadd.s32 s3, s2  }
0x8d: {  	s2 =	sadd.s32 s2, s17  }
0x8e: {  	[smem:$0x3FC3] =	sst s2  }
0x8f: {  	_ = 	snop  }
0x90: {  	s2 =	sld [smem:$0x3FD0];
	(tm) =	ssettm $0x1  }
0x91: {  	s18 =	sld [smem:$0x3FFB];
	_ =	sdelay $0x3  }
0x92: {  	_ =	strace s18  }
0x93: {  	s3 =	sld [smem:$0x3FFC];
	_ =	sdelay $0x3  }
0x94: {  	_ =	strace s3  }
0x95: {  	s3 =	sld [smem:$0x3FFD];
	_ =	sdelay $0x3  }
0x96: {  	_ =	strace s3  }
0x97: {  	_ =	strace $0x8FFFFFFF  }
0x98: {  	s19 =	sld [smem:$0x3FDB];
	_ =	sdelay $0x1  }
0x99: {  	s4 =	simm.s32 $_scs_section_size  }
0x9a: {  	s5 =	simm.s32 $_size__tile_overlayer_lowered;
	s6 =	simm.s32 $_tile_overlayer_lowered  }
0x9b: {  	s22 =	simm.s32 $0x1BFF;
	s21 =	sshll.u32 s6, $0x1;
	s3 =	sadd.s32 s4, s19  }
0x9c: {  	s7 =	simm.s32 $0x0;
	s20 =	sshll.u32 s5, $0x1;
	s5 =	sadd.s32 s21, s3  }
0x9d: {  	[timem:s7], [sflag:s22] =	dma.local [hbm:s5], s20  }
0x9e: {  	_ =	swait.ge [sflag:s22], s20  }
0x9f: {  	s4 =	ssub.s32 $0x0, s20;
	[sflag:s22] =	ssyncset.done $0x0  }
0xa0: {  	[sflag:s22] =	ssyncadd.s32 s4;
	_ =	sdelay $0x1  }
0xa1: {  	s23 =	simm.s32 $0x1B8B  }
0xa2: {  	_ =	swait.ge [sflag:s23], $0x1  }
0xa3: {  	[sflag:s23] =	ssyncset.done $0x0  }
0xa4: {  	s25 =	simm.s32 $0x1B8E;
	s24 =	sld [smem:$0x3FFE];
	[sflag:s23] =	ssyncadd.s32 $0xFFFFFFFF  }
0xa5: {  	s26 =	simm.s32 $execute0_lowered;
	[smem:$0x3FD2] =	sst s25  }
0xa6: {  	s5 =	sshll.u32 s26, $0x1;
	_ =	strace $0x80000046;
	[dreg:$0x1] =	wrdreg $0xFFFFFFFF  }
0xa7: {  	s28 =	simm.s32 $_size_execute0_lowered;
	s3 =	sadd.s32 s3, s5;
	[dreg:$0x0] =	wrdreg $0x0  }
0xa8: {  	s5 =	sshll.u32 s28, $0x1;
	[dreg:$0x2] =	wrdreg s3  }
0xa9: {  	[dreg:$0x3] =	wrdreg s5  }
0xaa: {  	[dreg:$0x4] =	wrdreg $0xC0  }
0xab: {  	_ =	task [dreg:s7], $0x5FFFF  }
0xac: {  	[dreg:$0x1] =	wrdreg $0xFFFFFFFF  }
0xad: {  	[dreg:$0x0] =	wrdreg $0x60  }
0xae: {  	[dreg:$0x2] =	wrdreg s24  }
0xaf: {  	[dreg:$0x3] =	wrdreg s2  }
0xb0: {  	[dreg:$0x4] =	wrdreg $0xA4800  }
0xb1: {  	[dreg:$0x5] =	wrdreg $0x9  }
0xb2: {  	_ =	task.clear_ibuf [dreg:s7], $0x6FFFF;
	_ =	strace $0x90000046  }
0xb3: {  	s29 =	simm.s32 $0x9;
	_ =	strace $0x80000048  }
0xb4: {  	_ =	swait.ge [sflag:s29], $0x1  }
0xb5: {  	[sflag:s29] =	ssyncadd.s32 $0xFFFFFFFF  }
0xb6: {  	_ =	strace $0x90000048  }
0xb7: {  	_ =	sfence  }
0xb8: {  	s30 =	sld [smem:$0x0];
	_ =	sdelay $0x2  }
0xb9: {  	s31 =	sshll.u32 s1, $0xD;
	s1 =	sshrl.u32 s1, $0x2  }
0xba: {  	s3 =	sand.u32 $0x4000, s31;
	s1 =	sadd.s32 s1, s30  }
0xbb: {  	s0 =	sor.u32 s3, s0;
	s1 =	sshll.u32 s1, $0x11  }
0xbc: {  	s0 =	sor.u32 s1, s0  }
0xbd: {  	s0 =	sadd.s32 $0x8F2B, s0  }
0xbe: {  	[sflag:s0] =	ssyncadd.remote.s32 $0x1  }
0xbf: {  	_ =	sfence.sel $0xFFFF  }
0xc0: {  	[dreg:$0x0] =	wrdreg $0xFFFFFFFF;
	(pc) =	sbr.abs _section_cstart, $3  }
0xc1: {  	[dreg:$0x1] =	wrdreg $0xFFFFFFFF  }
0xc2: {  	_ =	task.clear_ibuf [dreg:s7], $0x2FFFF;
	_ =	strace $0x9FFFFFFF  }
0xc3: {  	(tm) =	ssettm $0x7FFFFFFF  }
tec
execute0_lowered:
.L_overlay_start_1:
0x0: {  	(tag) =	ssettag $0x1  }
0x1: {  	s9 =	rddreg [dreg:$0x0]  }
0x2: {  	s12 =	rddreg [dreg:$0x1]  }
0x3: {  	s2 =	rddreg [dreg:$0x2];
	s3 =	simm.s32 $0x0;
	s1 =	stileid.u32  }
0x4: {  	s4 =	srdreg.scid;
	s15 =	simm.s32 $0x2;
	s16 =	simm.s32 $0x80  }
0x5: {  	s17 =	simm.s32 $0x1;
	s18 =	simm.s32 $0xA000;
	s19 =	simm.s32 $0x3000  }
0x6: {  	s20 =	simm.s32 $0xA080;
	s21 =	simm.s32 $0x3080;
	s22 =	simm.s32 $0xA100  }
0x7: {  	s23 =	simm.s32 $0x3100;
	s24 =	simm.s32 $0xA180;
	s25 =	simm.s32 $0x3180  }
0x8: {  	s26 =	simm.s32 $0x0;
	[smem:$0x7FF] =	sst s3;
	s10 =	smul.u32 $0xA00, s1  }
0x9: {  	s4 =	sand.u32 $0x1, s4;
	s13 =	smul.u32 $0x140, s1;
	s8 =	sadd.s32 $0x14800, s9  }
0xa: {  	p0 =	seq.s32 s1, $0xF;
	_ =	strace $0x80000047;
	s5 =	ssub.s32 $0x2, s4  }
0xb: {  	s11 =	smul.u32 $0x1400, s4;
	s4 =	sadd.s32 $0xAA00, s9;
	s6 =	sadd.s32 s10, s9  }
.Ltmp0:
0xc: {  	s7 =	sshrl.u32 s5, $0x1;
	s10 =	sshrl.u32 s10, $0x2;
	(pc) =	sbr.rel .LBB2_1-.Ltmp0, $4  }
0xd: {  	s14 =	ssub.s32 s5, s7;
	s5 =	sadd.s32 $0xAC00, s6;
	s6 =	sadd.s32 $0xC00, s6  }
0xe: {  	s7 =	sadd.s32 $0x14200, s9;
	s11 =	sadd.s32 s13, s11;
	s9 =	sadd.s32 $0xA200, s9  }
0xf: {  	s10 =	sadd.s32 s10, s2;
	s13 =	sshrl.u32 s11, $0x3;
	s11 =	sadd.s32 s11, s2  }
0x10: {  	v0 =	vimm.f32 $0.0e+00;
	s12 =	sadd.s32 s12, s13;
	s13 =	smax.u32 s14, $0x1;
	s14 =	simm.s32 $0xA200  }
.LBB2_7:
0x11: {  	s0 =	sadd.s32 $0x5000, s30;
	[sflag:s17] =	ssyncadd.s32 $0xFFFFFF80  }
0x12: {  	[spmem:s2] =	stream.indirect.scatter.add.f32 [tilespmem:s30], [sflag:$0x1], $0x1, s0, s16, $0xb8;
	[tilespmem:$0xA700] =	vst v63  }
0x13: {  	s31 =	sadd.s32 $0x80, s30;
	s28 =	sadd.s32 $0x5080, s30  }
0x14: {  	[spmem:s2] =	stream.indirect.scatter.add.f32 [tilespmem:s31], [sflag:$0x1], $0x1, s28, s16, $0xb8;
	[tilespmem:$0xA700] =	vst v63  }
0x15: {  	s29 =	sadd.s32 $0x100, s30;
	s31 =	sadd.s32 $0x5100, s30  }
0x16: {  	[spmem:s2] =	stream.indirect.scatter.add.f32 [tilespmem:s29], [sflag:$0x1], $0x1, s31, s16, $0xb8;
	[tilespmem:$0xA700] =	vst v63  }
0x17: {  	s29 =	sadd.s32 $0x180, s30;
	s31 =	sadd.s32 $0x5180, s30  }
0x18: {  	[spmem:s2] =	stream.indirect.scatter.add.f32 [tilespmem:s29], [sflag:$0x1], $0x1, s31, s16, $0xb8;
	[tilespmem:$0xA700] =	vst v63  }
0x19: {  	s29 =	sadd.s32 $0x200, s30;
	s31 =	sadd.s32 $0x5200, s30  }
0x1a: {  	[spmem:s2] =	stream.indirect.scatter.add.f32 [tilespmem:s29], [sflag:$0x1], $0x1, s31, s16, $0xb8;
	[tilespmem:$0xA700] =	vst v63  }
0x1b: {  	s29 =	sadd.s32 $0x280, s30;
	s31 =	sadd.s32 $0x5280, s30  }
0x1c: {  	[spmem:s2] =	stream.indirect.scatter.add.f32 [tilespmem:s29], [sflag:$0x1], $0x1, s31, s16, $0xb8;
	[tilespmem:$0xA700] =	vst v63  }
0x1d: {  	s29 =	sadd.s32 $0x300, s30;
	s31 =	sadd.s32 $0x5300, s30  }
0x1e: {  	[spmem:s2] =	stream.indirect.scatter.add.f32 [tilespmem:s29], [sflag:$0x1], $0x1, s31, s16, $0xb8;
	[tilespmem:$0xA700] =	vst v63  }
0x1f: {  	s29 =	sadd.s32 $0x380, s30;
	s31 =	sadd.s32 $0x5380, s30  }
0x20: {  	[spmem:s2] =	stream.indirect.scatter.add.f32 [tilespmem:s29], [sflag:$0x1], $0x1, s31, s16, $0xb8;
	[tilespmem:$0xA700] =	vst v63  }
0x21: {  	s29 =	sadd.s32 $0x400, s30;
	s31 =	sadd.s32 $0x5400, s30  }
0x22: {  	[spmem:s2] =	stream.indirect.scatter.add.f32 [tilespmem:s29], [sflag:$0x1], $0x1, s31, s16, $0xb8;
	[tilespmem:$0xA700] =	vst v63  }
0x23: {  	s29 =	sadd.s32 $0x480, s30;
	s31 =	sadd.s32 $0x5480, s30  }
0x24: {  	[spmem:s2] =	stream.indirect.scatter.add.f32 [tilespmem:s29], [sflag:$0x1], $0x1, s31, s16, $0xb8;
	[tilespmem:$0xA700] =	vst v63  }
0x25: {  	s29 =	sadd.s32 $0x500, s30;
	s31 =	sadd.s32 $0x5500, s30  }
0x26: {  	[spmem:s2] =	stream.indirect.scatter.add.f32 [tilespmem:s29], [sflag:$0x1], $0x1, s31, s16, $0xb8;
	[tilespmem:$0xA700] =	vst v63  }
0x27: {  	s29 =	sadd.s32 $0x580, s30;
	s31 =	sadd.s32 $0x5580, s30  }
0x28: {  	[spmem:s2] =	stream.indirect.scatter.add.f32 [tilespmem:s29], [sflag:$0x1], $0x1, s31, s16, $0xb8;
	[tilespmem:$0xA700] =	vst v63  }
0x29: {  	s29 =	sadd.s32 $0x600, s30;
	s31 =	sadd.s32 $0x5600, s30  }
0x2a: {  	[spmem:s2] =	stream.indirect.scatter.add.f32 [tilespmem:s29], [sflag:$0x1], $0x1, s31, s16, $0xb8;
	[tilespmem:$0xA700] =	vst v63  }
0x2b: {  	s29 =	sadd.s32 $0x680, s30;
	s31 =	sadd.s32 $0x5680, s30  }
0x2c: {  	[spmem:s2] =	stream.indirect.scatter.add.f32 [tilespmem:s29], [sflag:$0x1], $0x1, s31, s16, $0xb8;
	[tilespmem:$0xA700] =	vst v63  }
0x2d: {  	s29 =	sadd.s32 $0x700, s30;
	s31 =	sadd.s32 $0x5700, s30  }
0x2e: {  	[spmem:s2] =	stream.indirect.scatter.add.f32 [tilespmem:s29], [sflag:$0x1], $0x1, s31, s16, $0xb8;
	[tilespmem:$0xA700] =	vst v63  }
0x2f: {  	s29 =	sadd.s32 $0x780, s30;
	s31 =	sadd.s32 $0x5780, s30  }
0x30: {  	[spmem:s2] =	stream.indirect.scatter.add.f32 [tilespmem:s29], [sflag:$0x1], $0x1, s31, s16, $0xb8;
	[tilespmem:$0xA700] =	vst v63  }
0x31: {  	_ =	swait.ge [sflag:s17], $0x80  }
0x32: {  	[sflag:s17] =	ssyncset.done $0x0  }
0x33: {  	[sflag:s17] =	ssyncadd.s32 $0xFFFFFF80  }
0x34: {  	_ =	swait.ge [sflag:s17], $0x80  }
0x35: {  	[sflag:s17] =	ssyncset.done $0x0  }
0x36: {  	[sflag:s17] =	ssyncadd.s32 $0xFFFFFF80  }
0x37: {  	_ =	swait.ge [sflag:s17], $0x80  }
0x38: {  	[sflag:s17] =	ssyncset.done $0x0  }
0x39: {  	[sflag:s17] =	ssyncadd.s32 $0xFFFFFF80  }
0x3a: {  	_ =	swait.ge [sflag:s17], $0x80  }
0x3b: {  	[sflag:s17] =	ssyncset.done $0x0  }
0x3c: {  	[sflag:s17] =	ssyncadd.s32 $0xFFFFFF80  }
0x3d: {  	_ =	swait.ge [sflag:s17], $0x80  }
0x3e: {  	[sflag:s17] =	ssyncset.done $0x0  }
0x3f: {  	[sflag:s17] =	ssyncadd.s32 $0xFFFFFF80  }
0x40: {  	_ =	swait.ge [sflag:s17], $0x80  }
0x41: {  	[sflag:s17] =	ssyncset.done $0x0  }
0x42: {  	[sflag:s17] =	ssyncadd.s32 $0xFFFFFF80  }
0x43: {  	_ =	swait.ge [sflag:s17], $0x80  }
0x44: {  	[sflag:s17] =	ssyncset.done $0x0  }
0x45: {  	[sflag:s17] =	ssyncadd.s32 $0xFFFFFF80  }
0x46: {  	_ =	swait.ge [sflag:s17], $0x80  }
0x47: {  	[sflag:s17] =	ssyncset.done $0x0  }
0x48: {  	[sflag:s17] =	ssyncadd.s32 $0xFFFFFF80  }
0x49: {  	_ =	swait.ge [sflag:s17], $0x80  }
0x4a: {  	[sflag:s17] =	ssyncset.done $0x0  }
0x4b: {  	[sflag:s17] =	ssyncadd.s32 $0xFFFFFF80  }
0x4c: {  	_ =	swait.ge [sflag:s17], $0x80  }
0x4d: {  	[sflag:s17] =	ssyncset.done $0x0  }
0x4e: {  	[sflag:s17] =	ssyncadd.s32 $0xFFFFFF80  }
0x4f: {  	_ =	swait.ge [sflag:s17], $0x80  }
0x50: {  	[sflag:s17] =	ssyncset.done $0x0  }
0x51: {  	[sflag:s17] =	ssyncadd.s32 $0xFFFFFF80  }
0x52: {  	_ =	swait.ge [sflag:s17], $0x80  }
0x53: {  	[sflag:s17] =	ssyncset.done $0x0  }
0x54: {  	[sflag:s17] =	ssyncadd.s32 $0xFFFFFF80  }
0x55: {  	_ =	swait.ge [sflag:s17], $0x80  }
0x56: {  	[sflag:s17] =	ssyncset.done $0x0  }
0x57: {  	[sflag:s17] =	ssyncadd.s32 $0xFFFFFF80  }
0x58: {  	_ =	swait.ge [sflag:s17], $0x80  }
0x59: {  	[sflag:s17] =	ssyncset.done $0x0  }
0x5a: {  	[sflag:s17] =	ssyncadd.s32 $0xFFFFFF80  }
0x5b: {  	_ =	swait.ge [sflag:s17], $0x80  }
0x5c: {  	[sflag:s17] =	ssyncset.done $0x0  }
0x5d: {  	[sflag:s17] =	ssyncadd.s32 $0xFFFFFF80  }
0x5e: {  	_ =	swait.ge [sflag:s17], $0x80  }
0x5f: {  	[sflag:s17] =	ssyncset.done $0x0  }
0x60: {  	[sflag:s17] =	ssyncadd.s32 $0xFFFFFF80  }
0x61: {  	[spmem:s2] =	stream.indirect.scatter.add.f32 [tilespmem:s19], [sflag:$0x1], $0x1, s18, s16, $0xb8;
	[tilespmem:$0xA700] =	vst v63  }
0x62: {  	_ = 	snop  }
0x63: {  	[spmem:s2] =	stream.indirect.scatter.add.f32 [tilespmem:s21], [sflag:$0x1], $0x1, s20, s16, $0xb8;
	[tilespmem:$0xA700] =	vst v63  }
0x64: {  	_ = 	snop  }
0x65: {  	[spmem:s2] =	stream.indirect.scatter.add.f32 [tilespmem:s23], [sflag:$0x1], $0x1, s22, s16, $0xb8;
	[tilespmem:$0xA700] =	vst v63  }
0x66: {  	_ = 	snop  }
0x67: {  	[spmem:s2] =	stream.indirect.scatter.add.f32 [tilespmem:s25], [sflag:$0x1], $0x1, s24, s16, $0xb8;
	[tilespmem:$0xA700] =	vst v63  }
0x68: {  	_ =	swait.ge [sflag:s17], $0x80  }
0x69: {  	[sflag:s17] =	ssyncset.done $0x0  }
0x6a: {  	[sflag:s17] =	ssyncadd.s32 $0xFFFFFF80  }
0x6b: {  	_ =	swait.ge [sflag:s17], $0x80  }
0x6c: {  	[sflag:s17] =	ssyncset.done $0x0  }
0x6d: {  	[sflag:s17] =	ssyncadd.s32 $0xFFFFFF80  }
0x6e: {  	_ =	swait.ge [sflag:s17], $0x80  }
0x6f: {  	[sflag:s17] =	ssyncset.done $0x0  }
0x70: {  	[sflag:s17] =	ssyncadd.s32 $0xFFFFFF80  }
0x71: {  	_ =	swait.ge [sflag:s17], $0x80  }
0x72: {  	[sflag:s17] =	ssyncset.done $0x0  }
0x73: {  	[sflag:s17] =	ssyncadd.s32 $0xFFFFFF80  }
.LBB2_8:
0x74: {  	[bflag:$0x0] =	sbarrier.arrive $0xFFFF  }
0x75: {  	[tilespmem:s14], [sflag:$0x2] =	stream.linear.gather [spmem:s11], $0x140, $0x38;
	[tilespmem:$0xA700] =	vst v63  }
0x76: {  	s26 =	sadd.s32 $0x1, s26;
	_ =	swait.ge [sflag:s15], $0x140  }
0x77: {  	p1 =	sne.s32 s26, s13;
	[sflag:s15] =	ssyncset.done $0x0  }
.Ltmp1:
0x78: {  	[sflag:s15] =	ssyncadd.s32 $0xFFFFFEC0;
	(pc) =	sbr.rel @!p1 .LBB2_9-.Ltmp1, $4  }
0x79: {  	[hbm4b:s12+s3] =	stream.linear.scatter [tilespmem:s14], [sflag:$0x2], $0x140, $0x38;
	[tilespmem:$0xA700] =	vst v63  }
0x7a: {  	_ =	swait.ge [sflag:s15], $0x140  }
0x7b: {  	[sflag:s15] =	ssyncset.done $0x0  }
0x7c: {  	[sflag:s15] =	ssyncadd.s32 $0xFFFFFEC0  }
.LBB2_1:
0x7d: {  	s28 =	simm.s32 @p0 $0x0;
	s29 =	simm.s32 @p0 $0x2  }
0x7e: {  	[tilespmem:s28], [sflag:$0x2] =	stream.linear.gather @p0 [hbm4b:s7+s28], $0x3000, $0x38;
	[tilespmem:$0xA700] =	vst v63  }
0x7f: {  	_ =	swait.ge @p0 [sflag:s29], $0x3000  }
0x80: {  	[sflag:s29] =	ssyncset.done @p0 $0x0  }
0x81: {  	s30 =	simm.s32 @p0 $0x3000;
	[sflag:s29] =	ssyncadd.s32 @p0 $0xFFFFD000  }
0x82: {  	[tilespmem:s30], [sflag:$0x2] =	stream.linear.gather @p0 [hbm4b:s8+s28], $0x200, $0x38;
	[tilespmem:$0xA700] =	vst v63  }
0x83: {  	_ =	swait.ge @p0 [sflag:s29], $0x200  }
0x84: {  	[sflag:s29] =	ssyncset.done @p0 $0x0  }
0x85: {  	s30 =	simm.s32 @p0 $0x5000;
	[sflag:s29] =	ssyncadd.s32 @p0 $0xFFFFFE00  }
0x86: {  	[tilespmem:s30], [sflag:$0x2] =	stream.linear.gather @p0 [hbm4b:s9+s28], $0x3000, $0x38;
	[tilespmem:$0xA700] =	vst v63  }
0x87: {  	_ =	swait.ge @p0 [sflag:s29], $0x3000  }
0x88: {  	[sflag:s29] =	ssyncset.done @p0 $0x0  }
0x89: {  	s30 =	simm.s32 @p0 $0xA000;
	[sflag:s29] =	ssyncadd.s32 @p0 $0xFFFFD000  }
0x8a: {  	[tilespmem:s30], [sflag:$0x2] =	stream.linear.gather @p0 [hbm4b:s4+s28], $0x200, $0x38;
	[tilespmem:$0xA700] =	vst v63  }
0x8b: {  	_ =	swait.ge @p0 [sflag:s29], $0x200  }
0x8c: {  	[sflag:s29] =	ssyncset.done @p0 $0x0  }
0x8d: {  	s28 =	simm.s32 @!p0 $0x0;
	[sflag:s29] =	ssyncadd.s32 @p0 $0xFFFFFE00;
	s29 =	simm.s32 @!p0 $0x2  }
0x8e: {  	[tilespmem:s28], [sflag:$0x2] =	stream.linear.gather @!p0 [hbm4b:s5+s28], $0x5000, $0x38;
	[tilespmem:$0xA700] =	vst v63  }
0x8f: {  	_ =	swait.ge @!p0 [sflag:s29], $0x5000  }
0x90: {  	[sflag:s29] =	ssyncset.done @!p0 $0x0  }
0x91: {  	s30 =	simm.s32 @!p0 $0x5000;
	[sflag:s29] =	ssyncadd.s32 @!p0 $0xFFFFB000  }
0x92: {  	[tilespmem:s30], [sflag:$0x2] =	stream.linear.gather @!p0 [hbm4b:s6+s28], $0x5000, $0x38;
	[tilespmem:$0xA700] =	vst v63  }
0x93: {  	_ =	swait.ge @!p0 [sflag:s29], $0x5000  }
0x94: {  	[sflag:s29] =	ssyncset.done @!p0 $0x0  }
0x95: {  	[sflag:s29] =	ssyncadd.s32 @!p0 $0xFFFFB000  }
0x96: {  	[tilespmem:$0xA200] =	vst v0  }
0x97: {  	[tilespmem:$0xA210] =	vst v0  }
0x98: {  	[tilespmem:$0xA220] =	vst v0  }
0x99: {  	[tilespmem:$0xA230] =	vst v0  }
0x9a: {  	[tilespmem:$0xA240] =	vst v0  }
0x9b: {  	[tilespmem:$0xA250] =	vst v0  }
0x9c: {  	[tilespmem:$0xA260] =	vst v0  }
0x9d: {  	[tilespmem:$0xA270] =	vst v0  }
0x9e: {  	[tilespmem:$0xA280] =	vst v0  }
0x9f: {  	[tilespmem:$0xA290] =	vst v0  }
0xa0: {  	[tilespmem:$0xA2A0] =	vst v0  }
0xa1: {  	[tilespmem:$0xA2B0] =	vst v0  }
0xa2: {  	[tilespmem:$0xA2C0] =	vst v0  }
0xa3: {  	[tilespmem:$0xA2D0] =	vst v0  }
0xa4: {  	[tilespmem:$0xA2E0] =	vst v0  }
0xa5: {  	[tilespmem:$0xA2F0] =	vst v0  }
0xa6: {  	[tilespmem:$0xA300] =	vst v0  }
0xa7: {  	[tilespmem:$0xA310] =	vst v0  }
0xa8: {  	[tilespmem:$0xA320] =	vst v0  }
0xa9: {  	[tilespmem:$0xA330] =	vst v0  }
0xaa: {  	[tilespmem:$0xA340] =	vst v0  }
0xab: {  	[tilespmem:$0xA350] =	vst v0  }
0xac: {  	[tilespmem:$0xA360] =	vst v0  }
0xad: {  	[tilespmem:$0xA370] =	vst v0  }
0xae: {  	[tilespmem:$0xA380] =	vst v0  }
0xaf: {  	[tilespmem:$0xA390] =	vst v0  }
0xb0: {  	[tilespmem:$0xA3A0] =	vst v0  }
0xb1: {  	[tilespmem:$0xA3B0] =	vst v0  }
0xb2: {  	[tilespmem:$0xA3C0] =	vst v0  }
0xb3: {  	[tilespmem:$0xA3D0] =	vst v0  }
0xb4: {  	[tilespmem:$0xA3E0] =	vst v0  }
0xb5: {  	[tilespmem:$0xA3F0] =	vst v0  }
0xb6: {  	[tilespmem:$0xA400] =	vst v0  }
0xb7: {  	[tilespmem:$0xA410] =	vst v0  }
0xb8: {  	[tilespmem:$0xA420] =	vst v0  }
0xb9: {  	[tilespmem:$0xA430] =	vst v0  }
0xba: {  	[tilespmem:$0xA440] =	vst v0  }
0xbb: {  	[tilespmem:$0xA450] =	vst v0  }
0xbc: {  	[tilespmem:$0xA460] =	vst v0  }
0xbd: {  	[tilespmem:$0xA470] =	vst v0  }
0xbe: {  	[spmem:s10] =	stream.linear.scatter [tilespmem:s14], [sflag:$0x2], $0x280, $0x38;
	[tilespmem:$0xA700] =	vst v63  }
.Ltmp2:
0xbf: {  	_ =	swait.ge [sflag:s15], $0x280;
	(pc) =	sbr.rel @!p0 .LBB2_2-.Ltmp2, $3  }
0xc0: {  	[sflag:s15] =	ssyncset.done $0x0  }
0xc1: {  	[sflag:s15] =	ssyncadd.s32 $0xFFFFFD80  }
0xc2: {  	[bflag:$0x0] =	sbarrier.arrive $0xFFFF;
	_ =	sdelay $0x1  }
0xc3: {  	s0 =	simm.s32 $0x0;
	s28 =	simm.s32 $0x5000  }
0xc4: {  	[spmem:s2] =	stream.indirect.scatter.add.f32 [tilespmem:s0], [sflag:$0x1], $0x1, s28, s16, $0xb8;
	[tilespmem:$0xA700] =	vst v63  }
0xc5: {  	s29 =	simm.s32 $0x5080;
	s0 =	simm.s32 $0x80  }
0xc6: {  	[spmem:s2] =	stream.indirect.scatter.add.f32 [tilespmem:s0], [sflag:$0x1], $0x1, s29, s16, $0xb8;
	[tilespmem:$0xA700] =	vst v63  }
0xc7: {  	s0 =	simm.s32 $0x100;
	s29 =	simm.s32 $0x5100  }
0xc8: {  	[spmem:s2] =	stream.indirect.scatter.add.f32 [tilespmem:s0], [sflag:$0x1], $0x1, s29, s16, $0xb8;
	[tilespmem:$0xA700] =	vst v63  }
0xc9: {  	s0 =	simm.s32 $0x180;
	s29 =	simm.s32 $0x5180  }
0xca: {  	[spmem:s2] =	stream.indirect.scatter.add.f32 [tilespmem:s0], [sflag:$0x1], $0x1, s29, s16, $0xb8;
	[tilespmem:$0xA700] =	vst v63  }
0xcb: {  	s0 =	simm.s32 $0x200;
	s29 =	simm.s32 $0x5200  }
0xcc: {  	[spmem:s2] =	stream.indirect.scatter.add.f32 [tilespmem:s0], [sflag:$0x1], $0x1, s29, s16, $0xb8;
	[tilespmem:$0xA700] =	vst v63  }
0xcd: {  	s0 =	simm.s32 $0x280;
	s29 =	simm.s32 $0x5280  }
0xce: {  	[spmem:s2] =	stream.indirect.scatter.add.f32 [tilespmem:s0], [sflag:$0x1], $0x1, s29, s16, $0xb8;
	[tilespmem:$0xA700] =	vst v63  }
0xcf: {  	s0 =	simm.s32 $0x300;
	s29 =	simm.s32 $0x5300  }
0xd0: {  	[spmem:s2] =	stream.indirect.scatter.add.f32 [tilespmem:s0], [sflag:$0x1], $0x1, s29, s16, $0xb8;
	[tilespmem:$0xA700] =	vst v63  }
0xd1: {  	s0 =	simm.s32 $0x380;
	s29 =	simm.s32 $0x5380  }
0xd2: {  	[spmem:s2] =	stream.indirect.scatter.add.f32 [tilespmem:s0], [sflag:$0x1], $0x1, s29, s16, $0xb8;
	[tilespmem:$0xA700] =	vst v63  }
0xd3: {  	s0 =	simm.s32 $0x400;
	s29 =	simm.s32 $0x5400  }
0xd4: {  	[spmem:s2] =	stream.indirect.scatter.add.f32 [tilespmem:s0], [sflag:$0x1], $0x1, s29, s16, $0xb8;
	[tilespmem:$0xA700] =	vst v63  }
0xd5: {  	s0 =	simm.s32 $0x480;
	s29 =	simm.s32 $0x5480  }
0xd6: {  	[spmem:s2] =	stream.indirect.scatter.add.f32 [tilespmem:s0], [sflag:$0x1], $0x1, s29, s16, $0xb8;
	[tilespmem:$0xA700] =	vst v63  }
0xd7: {  	s0 =	simm.s32 $0x500;
	s29 =	simm.s32 $0x5500  }
0xd8: {  	[spmem:s2] =	stream.indirect.scatter.add.f32 [tilespmem:s0], [sflag:$0x1], $0x1, s29, s16, $0xb8;
	[tilespmem:$0xA700] =	vst v63  }
0xd9: {  	s0 =	simm.s32 $0x580;
	s29 =	simm.s32 $0x5580  }
0xda: {  	[spmem:s2] =	stream.indirect.scatter.add.f32 [tilespmem:s0], [sflag:$0x1], $0x1, s29, s16, $0xb8;
	[tilespmem:$0xA700] =	vst v63  }
0xdb: {  	s0 =	simm.s32 $0x600;
	s29 =	simm.s32 $0x5600  }
0xdc: {  	[spmem:s2] =	stream.indirect.scatter.add.f32 [tilespmem:s0], [sflag:$0x1], $0x1, s29, s16, $0xb8;
	[tilespmem:$0xA700] =	vst v63  }
0xdd: {  	s0 =	simm.s32 $0x680;
	s29 =	simm.s32 $0x5680  }
0xde: {  	[spmem:s2] =	stream.indirect.scatter.add.f32 [tilespmem:s0], [sflag:$0x1], $0x1, s29, s16, $0xb8;
	[tilespmem:$0xA700] =	vst v63  }
0xdf: {  	s0 =	simm.s32 $0x700;
	s29 =	simm.s32 $0x5700  }
0xe0: {  	[spmem:s2] =	stream.indirect.scatter.add.f32 [tilespmem:s0], [sflag:$0x1], $0x1, s29, s16, $0xb8;
	[tilespmem:$0xA700] =	vst v63  }
0xe1: {  	s0 =	simm.s32 $0x780;
	s29 =	simm.s32 $0x5780  }
0xe2: {  	[spmem:s2] =	stream.indirect.scatter.add.f32 [tilespmem:s0], [sflag:$0x1], $0x1, s29, s16, $0xb8;
	[tilespmem:$0xA700] =	vst v63  }
0xe3: {  	_ =	swait.ge [sflag:s17], $0x80  }
0xe4: {  	[sflag:s17] =	ssyncset.done $0x0  }
0xe5: {  	[sflag:s17] =	ssyncadd.s32 $0xFFFFFF80  }
0xe6: {  	_ =	swait.ge [sflag:s17], $0x80  }
0xe7: {  	[sflag:s17] =	ssyncset.done $0x0  }
0xe8: {  	[sflag:s17] =	ssyncadd.s32 $0xFFFFFF80  }
0xe9: {  	_ =	swait.ge [sflag:s17], $0x80  }
0xea: {  	[sflag:s17] =	ssyncset.done $0x0  }
0xeb: {  	[sflag:s17] =	ssyncadd.s32 $0xFFFFFF80  }
0xec: {  	_ =	swait.ge [sflag:s17], $0x80  }
0xed: {  	[sflag:s17] =	ssyncset.done $0x0  }
0xee: {  	[sflag:s17] =	ssyncadd.s32 $0xFFFFFF80  }
0xef: {  	_ =	swait.ge [sflag:s17], $0x80  }
0xf0: {  	[sflag:s17] =	ssyncset.done $0x0  }
0xf1: {  	[sflag:s17] =	ssyncadd.s32 $0xFFFFFF80  }
0xf2: {  	_ =	swait.ge [sflag:s17], $0x80  }
0xf3: {  	[sflag:s17] =	ssyncset.done $0x0  }
0xf4: {  	[sflag:s17] =	ssyncadd.s32 $0xFFFFFF80  }
0xf5: {  	_ =	swait.ge [sflag:s17], $0x80  }
0xf6: {  	[sflag:s17] =	ssyncset.done $0x0  }
0xf7: {  	[sflag:s17] =	ssyncadd.s32 $0xFFFFFF80  }
0xf8: {  	_ =	swait.ge [sflag:s17], $0x80  }
0xf9: {  	[sflag:s17] =	ssyncset.done $0x0  }
0xfa: {  	[sflag:s17] =	ssyncadd.s32 $0xFFFFFF80  }
0xfb: {  	_ =	swait.ge [sflag:s17], $0x80  }
0xfc: {  	[sflag:s17] =	ssyncset.done $0x0  }
0xfd: {  	[sflag:s17] =	ssyncadd.s32 $0xFFFFFF80  }
0xfe: {  	_ =	swait.ge [sflag:s17], $0x80  }
0xff: {  	[sflag:s17] =	ssyncset.done $0x0  }
0x100: {  	[sflag:s17] =	ssyncadd.s32 $0xFFFFFF80  }
0x101: {  	_ =	swait.ge [sflag:s17], $0x80  }
0x102: {  	[sflag:s17] =	ssyncset.done $0x0  }
0x103: {  	[sflag:s17] =	ssyncadd.s32 $0xFFFFFF80  }
0x104: {  	_ =	swait.ge [sflag:s17], $0x80  }
0x105: {  	[sflag:s17] =	ssyncset.done $0x0  }
0x106: {  	[sflag:s17] =	ssyncadd.s32 $0xFFFFFF80  }
0x107: {  	_ =	swait.ge [sflag:s17], $0x80  }
0x108: {  	[sflag:s17] =	ssyncset.done $0x0  }
0x109: {  	[sflag:s17] =	ssyncadd.s32 $0xFFFFFF80  }
0x10a: {  	_ =	swait.ge [sflag:s17], $0x80  }
0x10b: {  	[sflag:s17] =	ssyncset.done $0x0  }
0x10c: {  	[sflag:s17] =	ssyncadd.s32 $0xFFFFFF80  }
0x10d: {  	_ =	swait.ge [sflag:s17], $0x80  }
0x10e: {  	[sflag:s17] =	ssyncset.done $0x0  }
0x10f: {  	[sflag:s17] =	ssyncadd.s32 $0xFFFFFF80  }
0x110: {  	_ =	swait.ge [sflag:s17], $0x80  }
0x111: {  	s31 =	simm.s32 $0x4000;
	s30 =	simm.s32 $0x800;
	[sflag:s17] =	ssyncset.done $0x0  }
.LBB2_6:
0x112: {  	s0 =	sadd.s32 $0x5000, s30  }
0x113: {  	[sflag:s17] =	ssyncadd.s32 $0xFFFFFF80;
	s29 =	smov.u32 s31;
	s28 =	sadd.s32 $0x2000, s31  }
0x114: {  	[spmem:s2] =	stream.indirect.scatter.add.f32 [tilespmem:s30], [sflag:$0x1], $0x1, s0, s16, $0xb8;
	[tilespmem:$0xA700] =	vst v63  }
0x115: {  	p1 =	sne.s32 s31, $0xA000;
	s31 =	sadd.s32 $0x5080, s30;
	s0 =	sadd.s32 $0x80, s30  }
0x116: {  	[spmem:s2] =	stream.indirect.scatter.add.f32 [tilespmem:s0], [sflag:$0x1], $0x1, s31, s16, $0xb8;
	[tilespmem:$0xA700] =	vst v63  }
0x117: {  	s0 =	sadd.s32 $0x100, s30;
	s31 =	sadd.s32 $0x5100, s30  }
0x118: {  	[spmem:s2] =	stream.indirect.scatter.add.f32 [tilespmem:s0], [sflag:$0x1], $0x1, s31, s16, $0xb8;
	[tilespmem:$0xA700] =	vst v63  }
0x119: {  	s0 =	sadd.s32 $0x180, s30;
	s31 =	sadd.s32 $0x5180, s30  }
0x11a: {  	[spmem:s2] =	stream.indirect.scatter.add.f32 [tilespmem:s0], [sflag:$0x1], $0x1, s31, s16, $0xb8;
	[tilespmem:$0xA700] =	vst v63  }
0x11b: {  	s0 =	sadd.s32 $0x200, s30;
	s31 =	sadd.s32 $0x5200, s30  }
0x11c: {  	[spmem:s2] =	stream.indirect.scatter.add.f32 [tilespmem:s0], [sflag:$0x1], $0x1, s31, s16, $0xb8;
	[tilespmem:$0xA700] =	vst v63  }
0x11d: {  	s0 =	sadd.s32 $0x280, s30;
	s31 =	sadd.s32 $0x5280, s30  }
0x11e: {  	[spmem:s2] =	stream.indirect.scatter.add.f32 [tilespmem:s0], [sflag:$0x1], $0x1, s31, s16, $0xb8;
	[tilespmem:$0xA700] =	vst v63  }
0x11f: {  	s0 =	sadd.s32 $0x300, s30;
	s31 =	sadd.s32 $0x5300, s30  }
0x120: {  	[spmem:s2] =	stream.indirect.scatter.add.f32 [tilespmem:s0], [sflag:$0x1], $0x1, s31, s16, $0xb8;
	[tilespmem:$0xA700] =	vst v63  }
0x121: {  	s0 =	sadd.s32 $0x380, s30;
	s31 =	sadd.s32 $0x5380, s30  }
0x122: {  	[spmem:s2] =	stream.indirect.scatter.add.f32 [tilespmem:s0], [sflag:$0x1], $0x1, s31, s16, $0xb8;
	[tilespmem:$0xA700] =	vst v63  }
0x123: {  	s0 =	sadd.s32 $0x400, s30;
	s31 =	sadd.s32 $0x5400, s30  }
0x124: {  	[spmem:s2] =	stream.indirect.scatter.add.f32 [tilespmem:s0], [sflag:$0x1], $0x1, s31, s16, $0xb8;
	[tilespmem:$0xA700] =	vst v63  }
0x125: {  	s0 =	sadd.s32 $0x480, s30;
	s31 =	sadd.s32 $0x5480, s30  }
0x126: {  	[spmem:s2] =	stream.indirect.scatter.add.f32 [tilespmem:s0], [sflag:$0x1], $0x1, s31, s16, $0xb8;
	[tilespmem:$0xA700] =	vst v63  }
0x127: {  	s0 =	sadd.s32 $0x500, s30;
	s31 =	sadd.s32 $0x5500, s30  }
0x128: {  	[spmem:s2] =	stream.indirect.scatter.add.f32 [tilespmem:s0], [sflag:$0x1], $0x1, s31, s16, $0xb8;
	[tilespmem:$0xA700] =	vst v63  }
0x129: {  	s0 =	sadd.s32 $0x580, s30;
	s31 =	sadd.s32 $0x5580, s30  }
0x12a: {  	[spmem:s2] =	stream.indirect.scatter.add.f32 [tilespmem:s0], [sflag:$0x1], $0x1, s31, s16, $0xb8;
	[tilespmem:$0xA700] =	vst v63  }
0x12b: {  	s0 =	sadd.s32 $0x600, s30;
	s31 =	sadd.s32 $0x5600, s30  }
0x12c: {  	[spmem:s2] =	stream.indirect.scatter.add.f32 [tilespmem:s0], [sflag:$0x1], $0x1, s31, s16, $0xb8;
	[tilespmem:$0xA700] =	vst v63  }
0x12d: {  	s0 =	sadd.s32 $0x680, s30;
	s31 =	sadd.s32 $0x5680, s30  }
0x12e: {  	[spmem:s2] =	stream.indirect.scatter.add.f32 [tilespmem:s0], [sflag:$0x1], $0x1, s31, s16, $0xb8;
	[tilespmem:$0xA700] =	vst v63  }
0x12f: {  	s0 =	sadd.s32 $0x700, s30;
	s31 =	sadd.s32 $0x5700, s30  }
0x130: {  	[spmem:s2] =	stream.indirect.scatter.add.f32 [tilespmem:s0], [sflag:$0x1], $0x1, s31, s16, $0xb8;
	[tilespmem:$0xA700] =	vst v63  }
0x131: {  	s0 =	sadd.s32 $0x780, s30;
	s30 =	sadd.s32 $0x5780, s30  }
0x132: {  	[spmem:s2] =	stream.indirect.scatter.add.f32 [tilespmem:s0], [sflag:$0x1], $0x1, s30, s16, $0xb8;
	[tilespmem:$0xA700] =	vst v63  }
0x133: {  	_ =	swait.ge [sflag:s17], $0x80  }
0x134: {  	[sflag:s17] =	ssyncset.done $0x0  }
0x135: {  	[sflag:s17] =	ssyncadd.s32 $0xFFFFFF80  }
0x136: {  	_ =	swait.ge [sflag:s17], $0x80  }
0x137: {  	[sflag:s17] =	ssyncset.done $0x0  }
0x138: {  	[sflag:s17] =	ssyncadd.s32 $0xFFFFFF80  }
0x139: {  	_ =	swait.ge [sflag:s17], $0x80  }
0x13a: {  	[sflag:s17] =	ssyncset.done $0x0  }
0x13b: {  	[sflag:s17] =	ssyncadd.s32 $0xFFFFFF80  }
0x13c: {  	_ =	swait.ge [sflag:s17], $0x80  }
0x13d: {  	[sflag:s17] =	ssyncset.done $0x0  }
0x13e: {  	[sflag:s17] =	ssyncadd.s32 $0xFFFFFF80  }
0x13f: {  	_ =	swait.ge [sflag:s17], $0x80  }
0x140: {  	[sflag:s17] =	ssyncset.done $0x0  }
0x141: {  	[sflag:s17] =	ssyncadd.s32 $0xFFFFFF80  }
0x142: {  	_ =	swait.ge [sflag:s17], $0x80  }
0x143: {  	[sflag:s17] =	ssyncset.done $0x0  }
0x144: {  	[sflag:s17] =	ssyncadd.s32 $0xFFFFFF80  }
0x145: {  	_ =	swait.ge [sflag:s17], $0x80  }
0x146: {  	[sflag:s17] =	ssyncset.done $0x0  }
0x147: {  	[sflag:s17] =	ssyncadd.s32 $0xFFFFFF80  }
0x148: {  	_ =	swait.ge [sflag:s17], $0x80  }
0x149: {  	[sflag:s17] =	ssyncset.done $0x0  }
0x14a: {  	[sflag:s17] =	ssyncadd.s32 $0xFFFFFF80  }
0x14b: {  	_ =	swait.ge [sflag:s17], $0x80  }
0x14c: {  	[sflag:s17] =	ssyncset.done $0x0  }
0x14d: {  	[sflag:s17] =	ssyncadd.s32 $0xFFFFFF80  }
0x14e: {  	_ =	swait.ge [sflag:s17], $0x80  }
0x14f: {  	[sflag:s17] =	ssyncset.done $0x0  }
0x150: {  	[sflag:s17] =	ssyncadd.s32 $0xFFFFFF80  }
0x151: {  	_ =	swait.ge [sflag:s17], $0x80  }
0x152: {  	[sflag:s17] =	ssyncset.done $0x0  }
0x153: {  	[sflag:s17] =	ssyncadd.s32 $0xFFFFFF80  }
0x154: {  	_ =	swait.ge [sflag:s17], $0x80  }
0x155: {  	[sflag:s17] =	ssyncset.done $0x0  }
0x156: {  	[sflag:s17] =	ssyncadd.s32 $0xFFFFFF80  }
0x157: {  	_ =	swait.ge [sflag:s17], $0x80  }
0x158: {  	[sflag:s17] =	ssyncset.done $0x0  }
0x159: {  	[sflag:s17] =	ssyncadd.s32 $0xFFFFFF80  }
0x15a: {  	_ =	swait.ge [sflag:s17], $0x80  }
0x15b: {  	[sflag:s17] =	ssyncset.done $0x0  }
0x15c: {  	[sflag:s17] =	ssyncadd.s32 $0xFFFFFF80  }
.Ltmp3:
0x15d: {  	_ =	swait.ge [sflag:s17], $0x80;
	(pc) =	sbr.rel @p1 .LBB2_6-.Ltmp3, $4  }
0x15e: {  	[sflag:s17] =	ssyncset.done $0x0  }
0x15f: {  	[sflag:s17] =	ssyncadd.s32 $0xFFFFFF80  }
0x160: {  	_ =	swait.ge [sflag:s17], $0x80  }
0x161: {  	s31 =	smov.u32 s28;
	s30 =	sshra.s32 s29, $0x2;
	[sflag:s17] =	ssyncset.done $0x0  }
.Ltmp4:
0x162: {  	_ = 	snop;
	(pc) =	sbr.rel .LBB2_7-.Ltmp4, $1  }
0x163: {  	_ =	sdelay $0x3  }
.LBB2_2:
0x164: {  	s28 =	simm.s32 $0x0;
	s29 =	simm.s32 $0x5000  }
0x165: {  	[spmem:s2] =	stream.indirect.scatter.add.f32 [tilespmem:s28], [sflag:$0x1], $0x1, s29, s16, $0xb8;
	[tilespmem:$0xA700] =	vst v63  }
0x166: {  	s0 =	simm.s32 $0x5080;
	s28 =	simm.s32 $0x80  }
0x167: {  	[spmem:s2] =	stream.indirect.scatter.add.f32 [tilespmem:s28], [sflag:$0x1], $0x1, s0, s16, $0xb8;
	[tilespmem:$0xA700] =	vst v63  }
0x168: {  	s28 =	simm.s32 $0x100;
	s0 =	simm.s32 $0x5100  }
0x169: {  	[spmem:s2] =	stream.indirect.scatter.add.f32 [tilespmem:s28], [sflag:$0x1], $0x1, s0, s16, $0xb8;
	[tilespmem:$0xA700] =	vst v63  }
0x16a: {  	s28 =	simm.s32 $0x180;
	s0 =	simm.s32 $0x5180  }
0x16b: {  	[spmem:s2] =	stream.indirect.scatter.add.f32 [tilespmem:s28], [sflag:$0x1], $0x1, s0, s16, $0xb8;
	[tilespmem:$0xA700] =	vst v63  }
0x16c: {  	s28 =	simm.s32 $0x200;
	s0 =	simm.s32 $0x5200  }
0x16d: {  	[spmem:s2] =	stream.indirect.scatter.add.f32 [tilespmem:s28], [sflag:$0x1], $0x1, s0, s16, $0xb8;
	[tilespmem:$0xA700] =	vst v63  }
0x16e: {  	s28 =	simm.s32 $0x280;
	s0 =	simm.s32 $0x5280  }
0x16f: {  	[spmem:s2] =	stream.indirect.scatter.add.f32 [tilespmem:s28], [sflag:$0x1], $0x1, s0, s16, $0xb8;
	[tilespmem:$0xA700] =	vst v63  }
0x170: {  	s28 =	simm.s32 $0x300;
	s0 =	simm.s32 $0x5300  }
0x171: {  	[spmem:s2] =	stream.indirect.scatter.add.f32 [tilespmem:s28], [sflag:$0x1], $0x1, s0, s16, $0xb8;
	[tilespmem:$0xA700] =	vst v63  }
0x172: {  	s28 =	simm.s32 $0x380;
	s0 =	simm.s32 $0x5380  }
0x173: {  	[spmem:s2] =	stream.indirect.scatter.add.f32 [tilespmem:s28], [sflag:$0x1], $0x1, s0, s16, $0xb8;
	[tilespmem:$0xA700] =	vst v63  }
0x174: {  	s28 =	simm.s32 $0x400;
	s0 =	simm.s32 $0x5400  }
0x175: {  	[spmem:s2] =	stream.indirect.scatter.add.f32 [tilespmem:s28], [sflag:$0x1], $0x1, s0, s16, $0xb8;
	[tilespmem:$0xA700] =	vst v63  }
0x176: {  	s28 =	simm.s32 $0x480;
	s0 =	simm.s32 $0x5480  }
0x177: {  	[spmem:s2] =	stream.indirect.scatter.add.f32 [tilespmem:s28], [sflag:$0x1], $0x1, s0, s16, $0xb8;
	[tilespmem:$0xA700] =	vst v63  }
0x178: {  	s28 =	simm.s32 $0x500;
	s0 =	simm.s32 $0x5500  }
0x179: {  	[spmem:s2] =	stream.indirect.scatter.add.f32 [tilespmem:s28], [sflag:$0x1], $0x1, s0, s16, $0xb8;
	[tilespmem:$0xA700] =	vst v63  }
0x17a: {  	s28 =	simm.s32 $0x580;
	s0 =	simm.s32 $0x5580  }
0x17b: {  	[spmem:s2] =	stream.indirect.scatter.add.f32 [tilespmem:s28], [sflag:$0x1], $0x1, s0, s16, $0xb8;
	[tilespmem:$0xA700] =	vst v63  }
0x17c: {  	s28 =	simm.s32 $0x600;
	s0 =	simm.s32 $0x5600  }
0x17d: {  	[spmem:s2] =	stream.indirect.scatter.add.f32 [tilespmem:s28], [sflag:$0x1], $0x1, s0, s16, $0xb8;
	[tilespmem:$0xA700] =	vst v63  }
0x17e: {  	s28 =	simm.s32 $0x680;
	s0 =	simm.s32 $0x5680  }
0x17f: {  	[spmem:s2] =	stream.indirect.scatter.add.f32 [tilespmem:s28], [sflag:$0x1], $0x1, s0, s16, $0xb8;
	[tilespmem:$0xA700] =	vst v63  }
0x180: {  	s28 =	simm.s32 $0x700;
	s0 =	simm.s32 $0x5700  }
0x181: {  	[spmem:s2] =	stream.indirect.scatter.add.f32 [tilespmem:s28], [sflag:$0x1], $0x1, s0, s16, $0xb8;
	[tilespmem:$0xA700] =	vst v63  }
0x182: {  	s28 =	simm.s32 $0x780;
	s0 =	simm.s32 $0x5780  }
0x183: {  	[spmem:s2] =	stream.indirect.scatter.add.f32 [tilespmem:s28], [sflag:$0x1], $0x1, s0, s16, $0xb8;
	[tilespmem:$0xA700] =	vst v63  }
0x184: {  	_ =	swait.ge [sflag:s17], $0x80  }
0x185: {  	[sflag:s17] =	ssyncset.done $0x0  }
0x186: {  	[sflag:s17] =	ssyncadd.s32 $0xFFFFFF80  }
0x187: {  	_ =	swait.ge [sflag:s17], $0x80  }
0x188: {  	[sflag:s17] =	ssyncset.done $0x0  }
0x189: {  	[sflag:s17] =	ssyncadd.s32 $0xFFFFFF80  }
0x18a: {  	_ =	swait.ge [sflag:s17], $0x80  }
0x18b: {  	[sflag:s17] =	ssyncset.done $0x0  }
0x18c: {  	[sflag:s17] =	ssyncadd.s32 $0xFFFFFF80  }
0x18d: {  	_ =	swait.ge [sflag:s17], $0x80  }
0x18e: {  	[sflag:s17] =	ssyncset.done $0x0  }
0x18f: {  	[sflag:s17] =	ssyncadd.s32 $0xFFFFFF80  }
0x190: {  	_ =	swait.ge [sflag:s17], $0x80  }
0x191: {  	[sflag:s17] =	ssyncset.done $0x0  }
0x192: {  	[sflag:s17] =	ssyncadd.s32 $0xFFFFFF80  }
0x193: {  	_ =	swait.ge [sflag:s17], $0x80  }
0x194: {  	[sflag:s17] =	ssyncset.done $0x0  }
0x195: {  	[sflag:s17] =	ssyncadd.s32 $0xFFFFFF80  }
0x196: {  	_ =	swait.ge [sflag:s17], $0x80  }
0x197: {  	[sflag:s17] =	ssyncset.done $0x0  }
0x198: {  	[sflag:s17] =	ssyncadd.s32 $0xFFFFFF80  }
0x199: {  	_ =	swait.ge [sflag:s17], $0x80  }
0x19a: {  	[sflag:s17] =	ssyncset.done $0x0  }
0x19b: {  	[sflag:s17] =	ssyncadd.s32 $0xFFFFFF80  }
0x19c: {  	_ =	swait.ge [sflag:s17], $0x80  }
0x19d: {  	[sflag:s17] =	ssyncset.done $0x0  }
0x19e: {  	[sflag:s17] =	ssyncadd.s32 $0xFFFFFF80  }
0x19f: {  	_ =	swait.ge [sflag:s17], $0x80  }
0x1a0: {  	[sflag:s17] =	ssyncset.done $0x0  }
0x1a1: {  	[sflag:s17] =	ssyncadd.s32 $0xFFFFFF80  }
0x1a2: {  	_ =	swait.ge [sflag:s17], $0x80  }
0x1a3: {  	[sflag:s17] =	ssyncset.done $0x0  }
0x1a4: {  	[sflag:s17] =	ssyncadd.s32 $0xFFFFFF80  }
0x1a5: {  	_ =	swait.ge [sflag:s17], $0x80  }
0x1a6: {  	[sflag:s17] =	ssyncset.done $0x0  }
0x1a7: {  	[sflag:s17] =	ssyncadd.s32 $0xFFFFFF80  }
0x1a8: {  	_ =	swait.ge [sflag:s17], $0x80  }
0x1a9: {  	[sflag:s17] =	ssyncset.done $0x0  }
0x1aa: {  	[sflag:s17] =	ssyncadd.s32 $0xFFFFFF80  }
0x1ab: {  	_ =	swait.ge [sflag:s17], $0x80  }
0x1ac: {  	[sflag:s17] =	ssyncset.done $0x0  }
0x1ad: {  	[sflag:s17] =	ssyncadd.s32 $0xFFFFFF80  }
0x1ae: {  	_ =	swait.ge [sflag:s17], $0x80  }
0x1af: {  	[sflag:s17] =	ssyncset.done $0x0  }
0x1b0: {  	[sflag:s17] =	ssyncadd.s32 $0xFFFFFF80  }
0x1b1: {  	_ =	swait.ge [sflag:s17], $0x80  }
0x1b2: {  	s31 =	simm.s32 $0x4000;
	s30 =	simm.s32 $0x800;
	[sflag:s17] =	ssyncset.done $0x0  }
.LBB2_3:
0x1b3: {  	s0 =	sadd.s32 $0x5000, s30  }
0x1b4: {  	[sflag:s17] =	ssyncadd.s32 $0xFFFFFF80;
	s29 =	smov.u32 s31;
	s28 =	sadd.s32 $0x2000, s31  }
0x1b5: {  	[spmem:s2] =	stream.indirect.scatter.add.f32 [tilespmem:s30], [sflag:$0x1], $0x1, s0, s16, $0xb8;
	[tilespmem:$0xA700] =	vst v63  }
0x1b6: {  	p1 =	seq.s32 s31, $0x12000;
	s31 =	sadd.s32 $0x5080, s30;
	s0 =	sadd.s32 $0x80, s30  }
0x1b7: {  	[spmem:s2] =	stream.indirect.scatter.add.f32 [tilespmem:s0], [sflag:$0x1], $0x1, s31, s16, $0xb8;
	[tilespmem:$0xA700] =	vst v63  }
0x1b8: {  	s0 =	sadd.s32 $0x100, s30;
	s31 =	sadd.s32 $0x5100, s30  }
0x1b9: {  	[spmem:s2] =	stream.indirect.scatter.add.f32 [tilespmem:s0], [sflag:$0x1], $0x1, s31, s16, $0xb8;
	[tilespmem:$0xA700] =	vst v63  }
0x1ba: {  	s0 =	sadd.s32 $0x180, s30;
	s31 =	sadd.s32 $0x5180, s30  }
0x1bb: {  	[spmem:s2] =	stream.indirect.scatter.add.f32 [tilespmem:s0], [sflag:$0x1], $0x1, s31, s16, $0xb8;
	[tilespmem:$0xA700] =	vst v63  }
0x1bc: {  	s0 =	sadd.s32 $0x200, s30;
	s31 =	sadd.s32 $0x5200, s30  }
0x1bd: {  	[spmem:s2] =	stream.indirect.scatter.add.f32 [tilespmem:s0], [sflag:$0x1], $0x1, s31, s16, $0xb8;
	[tilespmem:$0xA700] =	vst v63  }
0x1be: {  	s0 =	sadd.s32 $0x280, s30;
	s31 =	sadd.s32 $0x5280, s30  }
0x1bf: {  	[spmem:s2] =	stream.indirect.scatter.add.f32 [tilespmem:s0], [sflag:$0x1], $0x1, s31, s16, $0xb8;
	[tilespmem:$0xA700] =	vst v63  }
0x1c0: {  	s0 =	sadd.s32 $0x300, s30;
	s31 =	sadd.s32 $0x5300, s30  }
0x1c1: {  	[spmem:s2] =	stream.indirect.scatter.add.f32 [tilespmem:s0], [sflag:$0x1], $0x1, s31, s16, $0xb8;
	[tilespmem:$0xA700] =	vst v63  }
0x1c2: {  	s0 =	sadd.s32 $0x380, s30;
	s31 =	sadd.s32 $0x5380, s30  }
0x1c3: {  	[spmem:s2] =	stream.indirect.scatter.add.f32 [tilespmem:s0], [sflag:$0x1], $0x1, s31, s16, $0xb8;
	[tilespmem:$0xA700] =	vst v63  }
0x1c4: {  	s0 =	sadd.s32 $0x400, s30;
	s31 =	sadd.s32 $0x5400, s30  }
0x1c5: {  	[spmem:s2] =	stream.indirect.scatter.add.f32 [tilespmem:s0], [sflag:$0x1], $0x1, s31, s16, $0xb8;
	[tilespmem:$0xA700] =	vst v63  }
0x1c6: {  	s0 =	sadd.s32 $0x480, s30;
	s31 =	sadd.s32 $0x5480, s30  }
0x1c7: {  	[spmem:s2] =	stream.indirect.scatter.add.f32 [tilespmem:s0], [sflag:$0x1], $0x1, s31, s16, $0xb8;
	[tilespmem:$0xA700] =	vst v63  }
0x1c8: {  	s0 =	sadd.s32 $0x500, s30;
	s31 =	sadd.s32 $0x5500, s30  }
0x1c9: {  	[spmem:s2] =	stream.indirect.scatter.add.f32 [tilespmem:s0], [sflag:$0x1], $0x1, s31, s16, $0xb8;
	[tilespmem:$0xA700] =	vst v63  }
0x1ca: {  	s0 =	sadd.s32 $0x580, s30;
	s31 =	sadd.s32 $0x5580, s30  }
0x1cb: {  	[spmem:s2] =	stream.indirect.scatter.add.f32 [tilespmem:s0], [sflag:$0x1], $0x1, s31, s16, $0xb8;
	[tilespmem:$0xA700] =	vst v63  }
0x1cc: {  	s0 =	sadd.s32 $0x600, s30;
	s31 =	sadd.s32 $0x5600, s30  }
0x1cd: {  	[spmem:s2] =	stream.indirect.scatter.add.f32 [tilespmem:s0], [sflag:$0x1], $0x1, s31, s16, $0xb8;
	[tilespmem:$0xA700] =	vst v63  }
0x1ce: {  	s0 =	sadd.s32 $0x680, s30;
	s31 =	sadd.s32 $0x5680, s30  }
0x1cf: {  	[spmem:s2] =	stream.indirect.scatter.add.f32 [tilespmem:s0], [sflag:$0x1], $0x1, s31, s16, $0xb8;
	[tilespmem:$0xA700] =	vst v63  }
0x1d0: {  	s0 =	sadd.s32 $0x700, s30;
	s31 =	sadd.s32 $0x5700, s30  }
0x1d1: {  	[spmem:s2] =	stream.indirect.scatter.add.f32 [tilespmem:s0], [sflag:$0x1], $0x1, s31, s16, $0xb8;
	[tilespmem:$0xA700] =	vst v63  }
0x1d2: {  	s0 =	sadd.s32 $0x780, s30;
	s30 =	sadd.s32 $0x5780, s30  }
0x1d3: {  	[spmem:s2] =	stream.indirect.scatter.add.f32 [tilespmem:s0], [sflag:$0x1], $0x1, s30, s16, $0xb8;
	[tilespmem:$0xA700] =	vst v63  }
0x1d4: {  	_ =	swait.ge [sflag:s17], $0x80  }
0x1d5: {  	[sflag:s17] =	ssyncset.done $0x0  }
0x1d6: {  	[sflag:s17] =	ssyncadd.s32 $0xFFFFFF80  }
0x1d7: {  	_ =	swait.ge [sflag:s17], $0x80  }
0x1d8: {  	[sflag:s17] =	ssyncset.done $0x0  }
0x1d9: {  	[sflag:s17] =	ssyncadd.s32 $0xFFFFFF80  }
0x1da: {  	_ =	swait.ge [sflag:s17], $0x80  }
0x1db: {  	[sflag:s17] =	ssyncset.done $0x0  }
0x1dc: {  	[sflag:s17] =	ssyncadd.s32 $0xFFFFFF80  }
0x1dd: {  	_ =	swait.ge [sflag:s17], $0x80  }
0x1de: {  	[sflag:s17] =	ssyncset.done $0x0  }
0x1df: {  	[sflag:s17] =	ssyncadd.s32 $0xFFFFFF80  }
0x1e0: {  	_ =	swait.ge [sflag:s17], $0x80  }
0x1e1: {  	[sflag:s17] =	ssyncset.done $0x0  }
0x1e2: {  	[sflag:s17] =	ssyncadd.s32 $0xFFFFFF80  }
0x1e3: {  	_ =	swait.ge [sflag:s17], $0x80  }
0x1e4: {  	[sflag:s17] =	ssyncset.done $0x0  }
0x1e5: {  	[sflag:s17] =	ssyncadd.s32 $0xFFFFFF80  }
0x1e6: {  	_ =	swait.ge [sflag:s17], $0x80  }
0x1e7: {  	[sflag:s17] =	ssyncset.done $0x0  }
0x1e8: {  	[sflag:s17] =	ssyncadd.s32 $0xFFFFFF80  }
0x1e9: {  	_ =	swait.ge [sflag:s17], $0x80  }
0x1ea: {  	[sflag:s17] =	ssyncset.done $0x0  }
0x1eb: {  	[sflag:s17] =	ssyncadd.s32 $0xFFFFFF80  }
0x1ec: {  	_ =	swait.ge [sflag:s17], $0x80  }
0x1ed: {  	[sflag:s17] =	ssyncset.done $0x0  }
0x1ee: {  	[sflag:s17] =	ssyncadd.s32 $0xFFFFFF80  }
0x1ef: {  	_ =	swait.ge [sflag:s17], $0x80  }
0x1f0: {  	[sflag:s17] =	ssyncset.done $0x0  }
0x1f1: {  	[sflag:s17] =	ssyncadd.s32 $0xFFFFFF80  }
0x1f2: {  	_ =	swait.ge [sflag:s17], $0x80  }
0x1f3: {  	[sflag:s17] =	ssyncset.done $0x0  }
0x1f4: {  	[sflag:s17] =	ssyncadd.s32 $0xFFFFFF80  }
0x1f5: {  	_ =	swait.ge [sflag:s17], $0x80  }
0x1f6: {  	[sflag:s17] =	ssyncset.done $0x0  }
0x1f7: {  	[sflag:s17] =	ssyncadd.s32 $0xFFFFFF80  }
0x1f8: {  	_ =	swait.ge [sflag:s17], $0x80  }
0x1f9: {  	[sflag:s17] =	ssyncset.done $0x0  }
0x1fa: {  	[sflag:s17] =	ssyncadd.s32 $0xFFFFFF80  }
0x1fb: {  	_ =	swait.ge [sflag:s17], $0x80  }
0x1fc: {  	[sflag:s17] =	ssyncset.done $0x0  }
0x1fd: {  	[sflag:s17] =	ssyncadd.s32 $0xFFFFFF80  }
.Ltmp5:
0x1fe: {  	_ =	swait.ge [sflag:s17], $0x80;
	(pc) =	sbr.rel @!p1 .LBB2_3-.Ltmp5, $4  }
0x1ff: {  	[sflag:s17] =	ssyncset.done $0x0  }
0x200: {  	[sflag:s17] =	ssyncadd.s32 $0xFFFFFF80  }
0x201: {  	_ =	swait.ge [sflag:s17], $0x80  }
0x202: {  	s31 =	smov.u32 s28;
	s30 =	sshra.s32 s29, $0x2;
	[sflag:s17] =	ssyncset.done $0x0  }
0x203: {  	s0 =	sadd.s32 $0x5000, s30;
	[sflag:s17] =	ssyncadd.s32 $0xFFFFFF80  }
0x204: {  	[spmem:s2] =	stream.indirect.scatter.add.f32 [tilespmem:s30], [sflag:$0x1], $0x1, s0, s16, $0xb8;
	[tilespmem:$0xA700] =	vst v63  }
0x205: {  	s31 =	sadd.s32 $0x80, s30;
	s28 =	sadd.s32 $0x5080, s30  }
0x206: {  	[spmem:s2] =	stream.indirect.scatter.add.f32 [tilespmem:s31], [sflag:$0x1], $0x1, s28, s16, $0xb8;
	[tilespmem:$0xA700] =	vst v63  }
0x207: {  	s29 =	sadd.s32 $0x100, s30;
	s31 =	sadd.s32 $0x5100, s30  }
0x208: {  	[spmem:s2] =	stream.indirect.scatter.add.f32 [tilespmem:s29], [sflag:$0x1], $0x1, s31, s16, $0xb8;
	[tilespmem:$0xA700] =	vst v63  }
0x209: {  	s29 =	sadd.s32 $0x180, s30;
	s31 =	sadd.s32 $0x5180, s30  }
0x20a: {  	[spmem:s2] =	stream.indirect.scatter.add.f32 [tilespmem:s29], [sflag:$0x1], $0x1, s31, s16, $0xb8;
	[tilespmem:$0xA700] =	vst v63  }
0x20b: {  	s29 =	sadd.s32 $0x200, s30;
	s31 =	sadd.s32 $0x5200, s30  }
0x20c: {  	[spmem:s2] =	stream.indirect.scatter.add.f32 [tilespmem:s29], [sflag:$0x1], $0x1, s31, s16, $0xb8;
	[tilespmem:$0xA700] =	vst v63  }
0x20d: {  	s29 =	sadd.s32 $0x280, s30;
	s31 =	sadd.s32 $0x5280, s30  }
0x20e: {  	[spmem:s2] =	stream.indirect.scatter.add.f32 [tilespmem:s29], [sflag:$0x1], $0x1, s31, s16, $0xb8;
	[tilespmem:$0xA700] =	vst v63  }
0x20f: {  	s29 =	sadd.s32 $0x300, s30;
	s31 =	sadd.s32 $0x5300, s30  }
0x210: {  	[spmem:s2] =	stream.indirect.scatter.add.f32 [tilespmem:s29], [sflag:$0x1], $0x1, s31, s16, $0xb8;
	[tilespmem:$0xA700] =	vst v63  }
0x211: {  	s29 =	sadd.s32 $0x380, s30;
	s31 =	sadd.s32 $0x5380, s30  }
0x212: {  	[spmem:s2] =	stream.indirect.scatter.add.f32 [tilespmem:s29], [sflag:$0x1], $0x1, s31, s16, $0xb8;
	[tilespmem:$0xA700] =	vst v63  }
0x213: {  	s29 =	sadd.s32 $0x400, s30;
	s31 =	sadd.s32 $0x5400, s30  }
0x214: {  	[spmem:s2] =	stream.indirect.scatter.add.f32 [tilespmem:s29], [sflag:$0x1], $0x1, s31, s16, $0xb8;
	[tilespmem:$0xA700] =	vst v63  }
0x215: {  	s29 =	sadd.s32 $0x480, s30;
	s31 =	sadd.s32 $0x5480, s30  }
0x216: {  	[spmem:s2] =	stream.indirect.scatter.add.f32 [tilespmem:s29], [sflag:$0x1], $0x1, s31, s16, $0xb8;
	[tilespmem:$0xA700] =	vst v63  }
0x217: {  	s29 =	sadd.s32 $0x500, s30;
	s31 =	sadd.s32 $0x5500, s30  }
0x218: {  	[spmem:s2] =	stream.indirect.scatter.add.f32 [tilespmem:s29], [sflag:$0x1], $0x1, s31, s16, $0xb8;
	[tilespmem:$0xA700] =	vst v63  }
0x219: {  	s29 =	sadd.s32 $0x580, s30;
	s31 =	sadd.s32 $0x5580, s30  }
0x21a: {  	[spmem:s2] =	stream.indirect.scatter.add.f32 [tilespmem:s29], [sflag:$0x1], $0x1, s31, s16, $0xb8;
	[tilespmem:$0xA700] =	vst v63  }
0x21b: {  	s29 =	sadd.s32 $0x600, s30;
	s31 =	sadd.s32 $0x5600, s30  }
0x21c: {  	[spmem:s2] =	stream.indirect.scatter.add.f32 [tilespmem:s29], [sflag:$0x1], $0x1, s31, s16, $0xb8;
	[tilespmem:$0xA700] =	vst v63  }
0x21d: {  	s29 =	sadd.s32 $0x680, s30;
	s31 =	sadd.s32 $0x5680, s30  }
0x21e: {  	[spmem:s2] =	stream.indirect.scatter.add.f32 [tilespmem:s29], [sflag:$0x1], $0x1, s31, s16, $0xb8;
	[tilespmem:$0xA700] =	vst v63  }
0x21f: {  	s29 =	sadd.s32 $0x700, s30;
	s31 =	sadd.s32 $0x5700, s30  }
0x220: {  	[spmem:s2] =	stream.indirect.scatter.add.f32 [tilespmem:s29], [sflag:$0x1], $0x1, s31, s16, $0xb8;
	[tilespmem:$0xA700] =	vst v63  }
0x221: {  	s29 =	sadd.s32 $0x780, s30;
	s31 =	sadd.s32 $0x5780, s30  }
0x222: {  	[spmem:s2] =	stream.indirect.scatter.add.f32 [tilespmem:s29], [sflag:$0x1], $0x1, s31, s16, $0xb8;
	[tilespmem:$0xA700] =	vst v63  }
0x223: {  	_ =	swait.ge [sflag:s17], $0x80  }
0x224: {  	[sflag:s17] =	ssyncset.done $0x0  }
0x225: {  	[sflag:s17] =	ssyncadd.s32 $0xFFFFFF80  }
0x226: {  	_ =	swait.ge [sflag:s17], $0x80  }
0x227: {  	[sflag:s17] =	ssyncset.done $0x0  }
0x228: {  	[sflag:s17] =	ssyncadd.s32 $0xFFFFFF80  }
0x229: {  	_ =	swait.ge [sflag:s17], $0x80  }
0x22a: {  	[sflag:s17] =	ssyncset.done $0x0  }
0x22b: {  	[sflag:s17] =	ssyncadd.s32 $0xFFFFFF80  }
0x22c: {  	_ =	swait.ge [sflag:s17], $0x80  }
0x22d: {  	[sflag:s17] =	ssyncset.done $0x0  }
0x22e: {  	[sflag:s17] =	ssyncadd.s32 $0xFFFFFF80  }
0x22f: {  	_ =	swait.ge [sflag:s17], $0x80  }
0x230: {  	[sflag:s17] =	ssyncset.done $0x0  }
0x231: {  	[sflag:s17] =	ssyncadd.s32 $0xFFFFFF80  }
0x232: {  	_ =	swait.ge [sflag:s17], $0x80  }
0x233: {  	[sflag:s17] =	ssyncset.done $0x0  }
0x234: {  	[sflag:s17] =	ssyncadd.s32 $0xFFFFFF80  }
0x235: {  	_ =	swait.ge [sflag:s17], $0x80  }
0x236: {  	[sflag:s17] =	ssyncset.done $0x0  }
0x237: {  	[sflag:s17] =	ssyncadd.s32 $0xFFFFFF80  }
0x238: {  	_ =	swait.ge [sflag:s17], $0x80  }
0x239: {  	[sflag:s17] =	ssyncset.done $0x0  }
0x23a: {  	[sflag:s17] =	ssyncadd.s32 $0xFFFFFF80  }
0x23b: {  	_ =	swait.ge [sflag:s17], $0x80  }
0x23c: {  	[sflag:s17] =	ssyncset.done $0x0  }
0x23d: {  	[sflag:s17] =	ssyncadd.s32 $0xFFFFFF80  }
0x23e: {  	_ =	swait.ge [sflag:s17], $0x80  }
0x23f: {  	[sflag:s17] =	ssyncset.done $0x0  }
0x240: {  	[sflag:s17] =	ssyncadd.s32 $0xFFFFFF80  }
0x241: {  	_ =	swait.ge [sflag:s17], $0x80  }
0x242: {  	[sflag:s17] =	ssyncset.done $0x0  }
0x243: {  	[sflag:s17] =	ssyncadd.s32 $0xFFFFFF80  }
0x244: {  	_ =	swait.ge [sflag:s17], $0x80  }
0x245: {  	[sflag:s17] =	ssyncset.done $0x0  }
0x246: {  	[sflag:s17] =	ssyncadd.s32 $0xFFFFFF80  }
0x247: {  	_ =	swait.ge [sflag:s17], $0x80  }
0x248: {  	[sflag:s17] =	ssyncset.done $0x0  }
0x249: {  	[sflag:s17] =	ssyncadd.s32 $0xFFFFFF80  }
0x24a: {  	_ =	swait.ge [sflag:s17], $0x80  }
0x24b: {  	[sflag:s17] =	ssyncset.done $0x0  }
0x24c: {  	[sflag:s17] =	ssyncadd.s32 $0xFFFFFF80  }
0x24d: {  	_ =	swait.ge [sflag:s17], $0x80  }
.Ltmp6:
0x24e: {  	[sflag:s17] =	ssyncset.done $0x0;
	(pc) =	sbr.rel .LBB2_8-.Ltmp6, $4  }
0x24f: {  	[sflag:s17] =	ssyncadd.s32 $0xFFFFFF80  }
0x250: {  	_ =	swait.ge [sflag:s17], $0x80  }
0x251: {  	[sflag:s17] =	ssyncset.done $0x0  }
0x252: {  	[sflag:s17] =	ssyncadd.s32 $0xFFFFFF80  }
.LBB2_9:
0x253: {  	_ =	sfence.sel $0x180000  }
0x254: {  	[bflag:$0x0] =	sbarrier.arrive $0xFFFF  }
0x255: {  	_ =	strace $0x90000047  }
0x256: {  	[bflag:$0x2] =	sbarrier.arrive $0xFFFF  }
0x257: {  	p0 =	sne.s32 s1, $0x0;
	s0 =	rddreg [dreg:$0x3]  }
0x258: {  	s0 =	sadd.s32 @!p0 $0x100000, s0  }
0x259: {  	[sflag:s0] =	ssyncadd.tile.s32 @!p0 $0x1;
	_ =	shalt  }
.Lfunc_end2:
_tile_overlayer_lowered:
.L_overlay_start_2:
0x25a: {  	(tag) =	ssettag $0x2  }
0x25b: {  	s0 =	rddreg [dreg:$0x0];
	s2 =	stileid.u32  }
0x25c: {  	s1 =	rddreg [dreg:$0x1];
	p0 =	sne.s32 s2, $0x0  }
0x25d: {  	s3 =	rddreg [dreg:$0x2];
	[bflag:$0x3] =	sbarrier.arrive $0xFFFF;
	s2 =	simm.s32 @!p0 $0x1C02  }
0x25e: {  	[timem:s3], [sflag:s2] =	dma.local @!p0 [hbm:s0], s1  }
0x25f: {  	s0 =	simm.s32 @!p0 $0x2  }
0x260: {  	_ =	swait.ge @!p0 [sflag:s0], s1  }
0x261: {  	s1 =	ssub.s32 @!p0 $0x0, s1;
	[sflag:s0] =	ssyncset.done @!p0 $0x0  }
0x262: {  	[sflag:s0] =	ssyncadd.s32 @!p0 s1  }
0x263: {  	[bflag:$0x3] =	sbarrier.arrive $0xFFFF  }
0x264: {  	_ =	shalt  }

</sc_bundles>
